<compile_context>
chip_gen: v7x
topology: tpu7x:2x2x1
jax: 0.10.2.dev20260603
libtpu: 0.0.44.dev20260713+nightly
codegen_flags: <defaults>
</compile_context>

<pallas_src>
import functools

import jax
import jax.numpy as jnp
from jax import lax
from jax.experimental import pallas as pl
from jax.experimental.pallas import tpu as pltpu
from jax.experimental.pallas import tpu_sc as plsc

NN = 10000
EE = 320000
DD = 128
H1 = 64
NC = 2
NS = 16
NW = NC * NS
EPW = EE // NW
LCH = 128
CH = 80
NBUF = 3
CHG = CH + NBUF
EPW_PAD = CH * LCH
NP = 10240
RPW = NP // NS

_mesh = plsc.VectorSubcoreMesh(
    core_axis_name="c", subcore_axis_name="s", num_cores=NC, num_subcores=NS)
_sc_params = pltpu.CompilerParams(
    needs_layout_passes=False, use_tc_tiling_on_sc=False)



@functools.partial(
    pl.kernel,
    out_type=jax.ShapeDtypeStruct((NW, NN), jnp.float32),
    mesh=_mesh,
    compiler_params=_sc_params,
    scratch_types=[
        pltpu.VMEM((EPW,), jnp.int32),
        pltpu.VMEM((NN,), jnp.float32),
    ],
)
def _sc_hist(dst_hbm, out_hbm, dst_v, acc_v):
    wid = lax.axis_index("s") * NC + lax.axis_index("c")
    pltpu.sync_copy(dst_hbm.at[pl.ds(wid * EPW, EPW)], dst_v)

    zeros = jnp.zeros((16,), jnp.float32)

    def zbody(i, carry):
        acc_v[pl.ds(i * 16, 16)] = zeros
        return carry

    lax.fori_loop(0, NN // 16, zbody, 0, unroll=False)

    ones = jnp.ones((16,), jnp.float32)

    def body(i, carry):
        di = dst_v[pl.ds(i * 16, 16)]
        plsc.addupdate_scatter(acc_v, [di], ones)
        return carry

    lax.fori_loop(0, EPW // 16, body, 0, unroll=8)
    pltpu.sync_copy(acc_v, out_hbm.at[wid])



@functools.partial(
    pl.kernel,
    out_type=jax.ShapeDtypeStruct((NC, NP, H1), jnp.float32),
    mesh=_mesh,
    compiler_params=_sc_params,
    scratch_types=[
        pltpu.VMEM((CHG, LCH), jnp.int32),
        pltpu.VMEM((CH, LCH), jnp.int32),
        pltpu.VMEM((NBUF, LCH, H1), jnp.float32),
        pltpu.VMEM_SHARED((NP, H1), jnp.float32),
        pltpu.VMEM_SHARED((NN, H1), jnp.float32),
        pltpu.SemaphoreType.DMA,
        pltpu.SemaphoreType.DMA,
    ],
)
def _sc_scatter_rows(hs_hbm, srcp_hbm, dstp_hbm, zrows_hbm, out_hbm,
                     src_v, dst_v, rows_v, acc_sh, hs_sh, sem0, sem1):
    c = lax.axis_index("c")
    s = lax.axis_index("s")
    wid = s * NC + c
    pltpu.sync_copy(srcp_hbm.at[wid], src_v)
    pltpu.sync_copy(dstp_hbm.at[wid], dst_v)
    pltpu.sync_copy(hs_hbm.at[pl.ds(s * (NN // NS), NN // NS)],
                    hs_sh.at[pl.ds(s * (NN // NS), NN // NS)])
    pltpu.sync_copy(zrows_hbm, rows_v.at[0])
    for k in range(RPW // LCH):
        pltpu.sync_copy(rows_v.at[0], acc_sh.at[pl.ds(s * RPW + k * LCH, LCH)])
    plsc.subcore_barrier()

    for b in range(NBUF):
        pltpu.async_copy(hs_sh.at[src_v.at[b]], rows_v.at[b], sem0)

    def body(jo, carry):
        for b in range(NBUF):
            j = jo * NBUF + b
            pltpu.make_async_copy(
                hs_sh.at[src_v.at[j]], rows_v.at[b], sem0).wait()
            pltpu.sync_copy(rows_v.at[b], acc_sh.at[dst_v.at[j]],
                            add=True)
            pltpu.async_copy(
                hs_sh.at[src_v.at[j + NBUF]], rows_v.at[b], sem0)
        return carry

    lax.fori_loop(0, CH // NBUF, body, 0, unroll=False)
    for b in range(NBUF):
        j = (CH // NBUF) * NBUF + b
        pltpu.make_async_copy(
            hs_sh.at[src_v.at[j]], rows_v.at[b], sem0).wait()
        if j < CH:
            pltpu.sync_copy(rows_v.at[b], acc_sh.at[dst_v.at[j]], add=True)
    plsc.subcore_barrier()
    pltpu.sync_copy(acc_sh.at[pl.ds(s * RPW, RPW)],
                    out_hbm.at[c, pl.ds(s * RPW, RPW)])



@functools.partial(
    pl.kernel,
    out_type=jax.ShapeDtypeStruct((NW, NN), jnp.float32),
    mesh=_mesh,
    compiler_params=_sc_params,
    scratch_types=[
        pltpu.VMEM((EPW,), jnp.int32),
        pltpu.VMEM((EPW,), jnp.int32),
        pltpu.VMEM((NN,), jnp.float32),
        pltpu.VMEM((NN,), jnp.float32),
    ],
)
def _sc_scatter_scalar(src_hbm, dst_hbm, hs2_hbm, out_hbm,
                       src_v, dst_v, tab_v, acc_v):
    wid = lax.axis_index("s") * NC + lax.axis_index("c")
    pltpu.sync_copy(src_hbm.at[pl.ds(wid * EPW, EPW)], src_v)
    pltpu.sync_copy(dst_hbm.at[pl.ds(wid * EPW, EPW)], dst_v)
    pltpu.sync_copy(hs2_hbm, tab_v)

    zeros = jnp.zeros((16,), jnp.float32)

    def zbody(i, carry):
        acc_v[pl.ds(i * 16, 16)] = zeros
        return carry

    lax.fori_loop(0, NN // 16, zbody, 0, unroll=False)

    def body(i, carry):
        si = src_v[pl.ds(i * 16, 16)]
        di = dst_v[pl.ds(i * 16, 16)]
        v = plsc.load_gather(tab_v, [si])
        plsc.addupdate_scatter(acc_v, [di], v)
        return carry

    lax.fori_loop(0, EPW // 16, body, 0, unroll=8)
    pltpu.sync_copy(acc_v, out_hbm.at[wid])



def _tc_scale_body(p_ref, x_ref, w_ref, hs_ref, disc_ref, disr_ref):
    deg = 1.0 + jnp.sum(p_ref[...], axis=0, keepdims=True)
    dis_row = lax.rsqrt(deg)
    disr_ref[...] = dis_row
    dis_col = jnp.transpose(dis_row, (1, 0))
    disc_ref[...] = dis_col
    h = jnp.dot(x_ref[...], w_ref[...], preferred_element_type=jnp.float32)
    hs_ref[...] = h * dis_col


_tc_scale = pl.pallas_call(
    _tc_scale_body,
    out_shape=(jax.ShapeDtypeStruct((NN, H1), jnp.float32),
               jax.ShapeDtypeStruct((NN, 1), jnp.float32),
               jax.ShapeDtypeStruct((1, NN), jnp.float32)))


def _tc_layer2_body(acc_ref, hs_ref, dis_ref, w2_ref, b1_ref, hs2_ref):
    a = acc_ref[0, :NN, :] + acc_ref[1, :NN, :] + hs_ref[...]
    o1 = jnp.maximum(a * dis_ref[...] + b1_ref[...], 0.0)
    h2 = jnp.dot(o1, w2_ref[...], preferred_element_type=jnp.float32)
    hs2_ref[...] = h2 * dis_ref[...]


_tc_layer2 = pl.pallas_call(
    _tc_layer2_body, out_shape=jax.ShapeDtypeStruct((NN, 1), jnp.float32))


def _tc_final_body(p2_ref, hs2_ref, dis_ref, b2_ref, out_ref):
    accr = jnp.sum(p2_ref[...], axis=0, keepdims=True)
    out_ref[...] = jax.nn.sigmoid(dis_ref[...] * (accr + hs2_ref[...])
                                  + b2_ref[0, 0])


_tc_final = pl.pallas_call(
    _tc_final_body, out_shape=jax.ShapeDtypeStruct((1, NN), jnp.float32))



def kernel(x, edge_index, W1, b1, W2, b2):
    src = edge_index[0]
    dst = edge_index[1]
    srcw = src.reshape(NW, EPW)
    dstw = dst.reshape(NW, EPW)
    srcp = jnp.concatenate(
        [srcw, jnp.zeros((NW, CHG * LCH - EPW), jnp.int32)],
        axis=1).reshape(NW, CHG, LCH)
    trash = jnp.broadcast_to(
        NN + jnp.arange(EPW_PAD - EPW, dtype=jnp.int32), (NW, EPW_PAD - EPW))
    dstp = jnp.concatenate([dstw, trash], axis=1).reshape(NW, CH, LCH)
    zrows = jnp.zeros((LCH, H1), jnp.float32)

    part_deg = _sc_hist(dst)
    hs1, dis_col, dis_row = _tc_scale(part_deg, x, W1)
    accp = _sc_scatter_rows(hs1, srcp, dstp, zrows)
    hs2_col = _tc_layer2(accp, hs1, dis_col, W2, b1.reshape(1, H1))
    part2 = _sc_scatter_scalar(src, dst, hs2_col.reshape(NN))
    out_row = _tc_final(part2, hs2_col.reshape(1, NN), dis_row,
                        b2.reshape(1, 1))
    return out_row.reshape(NN, 1)

# --- scband reference (transcript-rebuilt; emitter-appended) ---
"""Pipeline reference for scband-gcn-86844238725849 (READ-ONLY COPY).

The authoritative reference and input builder live on the scoring server;
editing this copy changes nothing except your own understanding.
"""

import jax, jax.numpy as jnp
import numpy as np

N = 10000
E = 320000
D = 128


def gcn_conv(x, edge_index, W, b):
    # PyG-style GCNConv: add self loops, symmetric D^-1/2 (A+I) D^-1/2 normalization
    n = x.shape[0]
    loop = jnp.arange(n, dtype=edge_index.dtype)
    src = jnp.concatenate([edge_index[0], loop])
    dst = jnp.concatenate([edge_index[1], loop])
    ones = jnp.ones(src.shape[0], dtype=x.dtype)
    deg = jax.ops.segment_sum(ones, dst, num_segments=n)
    dis = jnp.where(deg > 0, 1.0 / jnp.sqrt(deg), 0.0)
    norm = dis[src] * dis[dst]
    h = x @ W
    msg = h[src] * norm[:, None]
    out = jax.ops.segment_sum(msg, dst, num_segments=n)
    return out + b


def setup_inputs(seed: int = 0):
    key = jax.random.key(seed)
    k1, k2, k3, k4 = jax.random.split(key, 4)
    x = jax.random.normal(k1, (N, D), dtype=jnp.float32)
    edge_index = jax.random.randint(k2, (2, E), 0, N, dtype=jnp.int32)
    W1 = jax.random.normal(k3, (D, 64), dtype=jnp.float32) / jnp.sqrt(float(D))
    b1 = jnp.zeros((64,), dtype=jnp.float32)
    W2 = jax.random.normal(k4, (64, 1), dtype=jnp.float32) / jnp.sqrt(64.0)
    b2 = jnp.zeros((1,), dtype=jnp.float32)
    return {"x": x, "edge_index": edge_index, "W1": W1, "b1": b1, "W2": W2, "b2": b2}


def reference(x, edge_index, W1, b1, W2, b2):
    h = jax.nn.relu(gcn_conv(x, edge_index, W1, b1))
    h = gcn_conv(h, edge_index, W2, b2)
    return jax.nn.sigmoid(h)

if __name__ == "__main__":
    import jax
    _d = setup_inputs()
    print(jax.jit(kernel)(*tuple(_d.values())))

</pallas_src>

<mosaic_0001>
#map = affine_map<(d0, d1) -> (0)>
#map1 = affine_map<(d0, d1) -> (0, 0)>
module attributes {stable_mosaic.version = 14 : i64} {
  func.func @_sc_hist(%arg0: i32, %arg1: i32, %arg2: memref<320000xi32, #tpu.memory_space<hbm>>, %arg3: memref<32x10000xf32, #tpu.memory_space<hbm>>, %arg4: memref<10000xi32, #tpu.memory_space<vmem>>, %arg5: memref<10000xf32, #tpu.memory_space<vmem>>) attributes {dimension_semantics = [#tpu.dimension_semantics<core_parallel>, #tpu.dimension_semantics<subcore_parallel>], iteration_bounds = array<i64: 2, 16>, scalar_prefetch = 0 : i64, scratch_operands = 2 : i64, tpu.core_type = #tpu.core_type<sc_vector_subcore>, window_params = [{transform_indices = #map}, {transform_indices = #map1}]} {
    %mul3A = arith.constant 2 : i32
    %mul3A_0 = arith.muli %arg1, %mul3A : i32
    %add3A = arith.addi %mul3A_0, %arg0 : i32
    %mul3A_1 = arith.constant 10000 : i32
    %mul3A_2 = arith.muli %add3A, %mul3A_1 : i32
    "tpu.region"() ({
      %run_scoped3A = tpu.sem_alloc : memref<!tpu.dma_semaphore, #tpu.memory_space<semaphore_mem>>
      %dma_start3A = tpu.memref_slice %arg2[%mul3A_2] : memref<320000xi32, #tpu.memory_space<hbm>> -> memref<10000xi32, #tpu.memory_space<hbm>>
      %dma_start3A_22 = tpu.memref_slice %arg2[%mul3A_2] : memref<320000xi32, #tpu.memory_space<hbm>> -> memref<10000xi32, #tpu.memory_space<hbm>>
      tpu.enqueue_dma source(%dma_start3A_22 : memref<10000xi32, #tpu.memory_space<hbm>>) target(%arg4 : memref<10000xi32, #tpu.memory_space<vmem>>) target_semaphore(%run_scoped3A : memref<!tpu.dma_semaphore, #tpu.memory_space<semaphore_mem>>)
      %dma_wait3A = tpu.memref_slice %arg2[%mul3A_2] : memref<320000xi32, #tpu.memory_space<hbm>> -> memref<10000xi32, #tpu.memory_space<hbm>>
      %dma_wait3A_23 = tpu.memref_slice %arg2[%mul3A_2] : memref<320000xi32, #tpu.memory_space<hbm>> -> memref<10000xi32, #tpu.memory_space<hbm>>
      tpu.wait_dma2 semaphore(%run_scoped3A : memref<!tpu.dma_semaphore, #tpu.memory_space<semaphore_mem>>) src(%dma_wait3A_23 : memref<10000xi32, #tpu.memory_space<hbm>>) dst(%arg4 : memref<10000xi32, #tpu.memory_space<vmem>>)
      tpu.yield
    }) : () -> ()
    %broadcast_in_dim3A = arith.constant 0.000000e+00 : f32
    %broadcast_in_dim3A_3 = vector.broadcast %broadcast_in_dim3A : f32 to vector<16xf32>
    %scan3A = arith.constant 0 : i32
    %scan3A_4 = arith.constant 0 : i32
    %scan3A_5 = arith.constant 625 : i32
    %scan3A_6 = arith.addi %scan3A_4, %scan3A_5 : i32
    %scan3A_7 = arith.constant 1 : i32
    scf.for %scan3A_22 = %scan3A_4 to %scan3A_6 step %scan3A_7  : i32 {
      %mul3A_23 = arith.constant 16 : i32
      %mul3A_24 = arith.muli %scan3A_22, %mul3A_23 : i32
      %swap3A = arith.index_cast %mul3A_24 : i32 to index
      %swap3A_25 = tpu.vector_load %arg5[%swap3A] {strides = array<i32>} : memref<10000xf32, #tpu.memory_space<vmem>>, vector<16xf32>,
      tpu.vector_store %arg5[%swap3A], %broadcast_in_dim3A_3 {strides = array<i32>} : memref<10000xf32, #tpu.memory_space<vmem>>, vector<16xf32>,
    }
    %scan3A_8 = arith.constant 625 : i32
    %broadcast_in_dim3A_9 = arith.constant 1.000000e+00 : f32
    %broadcast_in_dim3A_10 = vector.broadcast %broadcast_in_dim3A_9 : f32 to vector<16xf32>
    %scan3A_11 = arith.constant 0 : i32
    %scan3A_12 = arith.constant 0 : i32
    %scan3A_13 = arith.constant 624 : i32
    %scan3A_14 = arith.addi %scan3A_12, %scan3A_13 : i32
    %scan3A_15 = arith.constant 8 : i32
    scf.for %scan3A_22 = %scan3A_12 to %scan3A_14 step %scan3A_15  : i32 {
      %mul3A_23 = arith.constant 16 : i32
      %mul3A_24 = arith.muli %scan3A_22, %mul3A_23 : i32
      %get3A_25 = arith.index_cast %mul3A_24 : i32 to index
      %get3A_26 = tpu.vector_load %arg4[%get3A_25] {strides = array<i32>} : memref<10000xi32, #tpu.memory_space<vmem>>, vector<16xi32>,
      tpu.vector_store_idx %arg5[%get3A_26], %broadcast_in_dim3A_10 {add = true} : memref<10000xf32, #tpu.memory_space<vmem>>[vector<16xi32>], vector<16xf32>,
      %scan3A_27 = arith.constant 1 : i32
      %scan3A_28 = arith.addi %scan3A_22, %scan3A_27 : i32
      %mul3A_29 = arith.constant 16 : i32
      %mul3A_30 = arith.muli %scan3A_28, %mul3A_29 : i32
      %get3A_31 = arith.index_cast %mul3A_30 : i32 to index
      %get3A_32 = tpu.vector_load %arg4[%get3A_31] {strides = array<i32>} : memref<10000xi32, #tpu.memory_space<vmem>>, vector<16xi32>,
      tpu.vector_store_idx %arg5[%get3A_32], %broadcast_in_dim3A_10 {add = true} : memref<10000xf32, #tpu.memory_space<vmem>>[vector<16xi32>], vector<16xf32>,
      %scan3A_33 = arith.constant 2 : i32
      %scan3A_34 = arith.addi %scan3A_22, %scan3A_33 : i32
      %mul3A_35 = arith.constant 16 : i32
      %mul3A_36 = arith.muli %scan3A_34, %mul3A_35 : i32
      %get3A_37 = arith.index_cast %mul3A_36 : i32 to index
      %get3A_38 = tpu.vector_load %arg4[%get3A_37] {strides = array<i32>} : memref<10000xi32, #tpu.memory_space<vmem>>, vector<16xi32>,
      tpu.vector_store_idx %arg5[%get3A_38], %broadcast_in_dim3A_10 {add = true} : memref<10000xf32, #tpu.memory_space<vmem>>[vector<16xi32>], vector<16xf32>,
      %scan3A_39 = arith.constant 3 : i32
      %scan3A_40 = arith.addi %scan3A_22, %scan3A_39 : i32
      %mul3A_41 = arith.constant 16 : i32
      %mul3A_42 = arith.muli %scan3A_40, %mul3A_41 : i32
      %get3A_43 = arith.index_cast %mul3A_42 : i32 to index
      %get3A_44 = tpu.vector_load %arg4[%get3A_43] {strides = array<i32>} : memref<10000xi32, #tpu.memory_space<vmem>>, vector<16xi32>,
      tpu.vector_store_idx %arg5[%get3A_44], %broadcast_in_dim3A_10 {add = true} : memref<10000xf32, #tpu.memory_space<vmem>>[vector<16xi32>], vector<16xf32>,
      %scan3A_45 = arith.constant 4 : i32
      %scan3A_46 = arith.addi %scan3A_22, %scan3A_45 : i32
      %mul3A_47 = arith.constant 16 : i32
      %mul3A_48 = arith.muli %scan3A_46, %mul3A_47 : i32
      %get3A_49 = arith.index_cast %mul3A_48 : i32 to index
      %get3A_50 = tpu.vector_load %arg4[%get3A_49] {strides = array<i32>} : memref<10000xi32, #tpu.memory_space<vmem>>, vector<16xi32>,
      tpu.vector_store_idx %arg5[%get3A_50], %broadcast_in_dim3A_10 {add = true} : memref<10000xf32, #tpu.memory_space<vmem>>[vector<16xi32>], vector<16xf32>,
      %scan3A_51 = arith.constant 5 : i32
      %scan3A_52 = arith.addi %scan3A_22, %scan3A_51 : i32
      %mul3A_53 = arith.constant 16 : i32
      %mul3A_54 = arith.muli %scan3A_52, %mul3A_53 : i32
      %get3A_55 = arith.index_cast %mul3A_54 : i32 to index
      %get3A_56 = tpu.vector_load %arg4[%get3A_55] {strides = array<i32>} : memref<10000xi32, #tpu.memory_space<vmem>>, vector<16xi32>,
      tpu.vector_store_idx %arg5[%get3A_56], %broadcast_in_dim3A_10 {add = true} : memref<10000xf32, #tpu.memory_space<vmem>>[vector<16xi32>], vector<16xf32>,
      %scan3A_57 = arith.constant 6 : i32
      %scan3A_58 = arith.addi %scan3A_22, %scan3A_57 : i32
      %mul3A_59 = arith.constant 16 : i32
      %mul3A_60 = arith.muli %scan3A_58, %mul3A_59 : i32
      %get3A_61 = arith.index_cast %mul3A_60 : i32 to index
      %get3A_62 = tpu.vector_load %arg4[%get3A_61] {strides = array<i32>} : memref<10000xi32, #tpu.memory_space<vmem>>, vector<16xi32>,
      tpu.vector_store_idx %arg5[%get3A_62], %broadcast_in_dim3A_10 {add = true} : memref<10000xf32, #tpu.memory_space<vmem>>[vector<16xi32>], vector<16xf32>,
      %scan3A_63 = arith.constant 7 : i32
      %scan3A_64 = arith.addi %scan3A_22, %scan3A_63 : i32
      %mul3A_65 = arith.constant 16 : i32
      %mul3A_66 = arith.muli %scan3A_64, %mul3A_65 : i32
      %get3A_67 = arith.index_cast %mul3A_66 : i32 to index
      %get3A_68 = tpu.vector_load %arg4[%get3A_67] {strides = array<i32>} : memref<10000xi32, #tpu.memory_space<vmem>>, vector<16xi32>,
      tpu.vector_store_idx %arg5[%get3A_68], %broadcast_in_dim3A_10 {add = true} : memref<10000xf32, #tpu.memory_space<vmem>>[vector<16xi32>], vector<16xf32>,
    }
    %scan3A_16 = arith.constant 624 : i32
    %scan3A_17 = arith.addi %scan3A_12, %scan3A_16 : i32
    %mul3A_18 = arith.constant 16 : i32
    %mul3A_19 = arith.muli %scan3A_17, %mul3A_18 : i32
    %get3A = arith.index_cast %mul3A_19 : i32 to index
    %get3A_20 = tpu.vector_load %arg4[%get3A] {strides = array<i32>} : memref<10000xi32, #tpu.memory_space<vmem>>, vector<16xi32>,
    tpu.vector_store_idx %arg5[%get3A_20], %broadcast_in_dim3A_10 {add = true} : memref<10000xf32, #tpu.memory_space<vmem>>[vector<16xi32>], vector<16xf32>,
    %scan3A_21 = arith.constant 625 : i32
    "tpu.region"() ({
      %run_scoped3A = tpu.sem_alloc : memref<!tpu.dma_semaphore, #tpu.memory_space<semaphore_mem>>
      %dma_start3A = arith.constant 0 : i32
      %dma_start3A_22 = tpu.memref_slice %arg3[%add3A, %dma_start3A] : memref<32x10000xf32, #tpu.memory_space<hbm>> -> memref<1x10000xf32, #tpu.memory_space<hbm>>
      %dma_start3A_23 = tpu.memref_squeeze %dma_start3A_22 : memref<1x10000xf32, #tpu.memory_space<hbm>> -> memref<10000xf32, #tpu.memory_space<hbm>>
      %dma_start3A_24 = arith.constant 0 : i32
      %dma_start3A_25 = tpu.memref_slice %arg3[%add3A, %dma_start3A_24] : memref<32x10000xf32, #tpu.memory_space<hbm>> -> memref<1x10000xf32, #tpu.memory_space<hbm>>
      %dma_start3A_26 = tpu.memref_squeeze %dma_start3A_25 : memref<1x10000xf32, #tpu.memory_space<hbm>> -> memref<10000xf32, #tpu.memory_space<hbm>>
      tpu.enqueue_dma source(%arg5 : memref<10000xf32, #tpu.memory_space<vmem>>) target(%dma_start3A_26 : memref<10000xf32, #tpu.memory_space<hbm>>) target_semaphore(%run_scoped3A : memref<!tpu.dma_semaphore, #tpu.memory_space<semaphore_mem>>)
      %dma_wait3A = arith.constant 0 : i32
      %dma_wait3A_27 = tpu.memref_slice %arg3[%add3A, %dma_wait3A] : memref<32x10000xf32, #tpu.memory_space<hbm>> -> memref<1x10000xf32, #tpu.memory_space<hbm>>
      %dma_wait3A_28 = tpu.memref_squeeze %dma_wait3A_27 : memref<1x10000xf32, #tpu.memory_space<hbm>> -> memref<10000xf32, #tpu.memory_space<hbm>>
      %dma_wait3A_29 = arith.constant 0 : i32
      %dma_wait3A_30 = tpu.memref_slice %arg3[%add3A, %dma_wait3A_29] : memref<32x10000xf32, #tpu.memory_space<hbm>> -> memref<1x10000xf32, #tpu.memory_space<hbm>>
      %dma_wait3A_31 = tpu.memref_squeeze %dma_wait3A_30 : memref<1x10000xf32, #tpu.memory_space<hbm>> -> memref<10000xf32, #tpu.memory_space<hbm>>
      tpu.wait_dma2 semaphore(%run_scoped3A : memref<!tpu.dma_semaphore, #tpu.memory_space<semaphore_mem>>) src(%arg5 : memref<10000xf32, #tpu.memory_space<vmem>>) dst(%dma_wait3A_31 : memref<10000xf32, #tpu.memory_space<hbm>>)
      tpu.yield
    }) : () -> ()
    return
  }
}

#map = affine_map<(d0, d1) -> (0, 0)>
#map1 = affine_map<(d0, d1) -> (0, 0, 0)>
module attributes {stable_mosaic.version = 14 : i64} {
  func.func @_sc_scatter_rows(%arg0: i32, %arg1: i32, %arg2: memref<10000x64xf32, #tpu.memory_space<hbm>>, %arg3: memref<32x83x128xi32, #tpu.memory_space<hbm>>, %arg4: memref<32x80x128xi32, #tpu.memory_space<hbm>>, %arg5: memref<128x64xf32, #tpu.memory_space<hbm>>, %arg6: memref<2x10240x64xf32, #tpu.memory_space<hbm>>, %arg7: memref<83x128xi32, #tpu.memory_space<vmem>>, %arg8: memref<80x128xi32, #tpu.memory_space<vmem>>, %arg9: memref<3x128x64xf32, #tpu.memory_space<vmem>>, %arg10: memref<10240x64xf32, #tpu.memory_space<vmem_shared>>, %arg11: memref<10000x64xf32, #tpu.memory_space<vmem_shared>>, %arg12: memref<!tpu.dma_semaphore, #tpu.memory_space<semaphore_mem>>, %arg13: memref<!tpu.dma_semaphore, #tpu.memory_space<semaphore_mem>>) attributes {dimension_semantics = [#tpu.dimension_semantics<core_parallel>, #tpu.dimension_semantics<subcore_parallel>], iteration_bounds = array<i64: 2, 16>, scalar_prefetch = 0 : i64, scratch_operands = 7 : i64, tpu.core_type = #tpu.core_type<sc_vector_subcore>, window_params = [{transform_indices = #map}, {transform_indices = #map1}, {transform_indices = #map1}, {transform_indices = #map}, {transform_indices = #map1}]} {
    %mul3A = arith.constant 2 : i32
    %mul3A_0 = arith.muli %arg1, %mul3A : i32
    %add3A = arith.addi %mul3A_0, %arg0 : i32
    "tpu.region"() ({
      %run_scoped3A_114 = tpu.sem_alloc : memref<!tpu.dma_semaphore, #tpu.memory_space<semaphore_mem>>
      %dma_start3A_115 = arith.constant 0 : i32
      %dma_start3A_116 = arith.constant 0 : i32
      %dma_start3A_117 = tpu.memref_slice %arg3[%add3A, %dma_start3A_115, %dma_start3A_116] : memref<32x83x128xi32, #tpu.memory_space<hbm>> -> memref<1x83x128xi32, #tpu.memory_space<hbm>>
      %dma_start3A_118 = tpu.memref_squeeze %dma_start3A_117 : memref<1x83x128xi32, #tpu.memory_space<hbm>> -> memref<83x128xi32, #tpu.memory_space<hbm>>
      %dma_start3A_119 = arith.constant 0 : i32
      %dma_start3A_120 = arith.constant 0 : i32
      %dma_start3A_121 = tpu.memref_slice %arg3[%add3A, %dma_start3A_119, %dma_start3A_120] : memref<32x83x128xi32, #tpu.memory_space<hbm>> -> memref<1x83x128xi32, #tpu.memory_space<hbm>>
      %dma_start3A_122 = tpu.memref_squeeze %dma_start3A_121 : memref<1x83x128xi32, #tpu.memory_space<hbm>> -> memref<83x128xi32, #tpu.memory_space<hbm>>
      tpu.enqueue_dma source(%dma_start3A_122 : memref<83x128xi32, #tpu.memory_space<hbm>>) target(%arg7 : memref<83x128xi32, #tpu.memory_space<vmem>>) target_semaphore(%run_scoped3A_114 : memref<!tpu.dma_semaphore, #tpu.memory_space<semaphore_mem>>)
      %dma_wait3A_123 = arith.constant 0 : i32
      %dma_wait3A_124 = arith.constant 0 : i32
      %dma_wait3A_125 = tpu.memref_slice %arg3[%add3A, %dma_wait3A_123, %dma_wait3A_124] : memref<32x83x128xi32, #tpu.memory_space<hbm>> -> memref<1x83x128xi32, #tpu.memory_space<hbm>>
      %dma_wait3A_126 = tpu.memref_squeeze %dma_wait3A_125 : memref<1x83x128xi32, #tpu.memory_space<hbm>> -> memref<83x128xi32, #tpu.memory_space<hbm>>
      %dma_wait3A_127 = arith.constant 0 : i32
      %dma_wait3A_128 = arith.constant 0 : i32
      %dma_wait3A_129 = tpu.memref_slice %arg3[%add3A, %dma_wait3A_127, %dma_wait3A_128] : memref<32x83x128xi32, #tpu.memory_space<hbm>> -> memref<1x83x128xi32, #tpu.memory_space<hbm>>
      %dma_wait3A_130 = tpu.memref_squeeze %dma_wait3A_129 : memref<1x83x128xi32, #tpu.memory_space<hbm>> -> memref<83x128xi32, #tpu.memory_space<hbm>>
      tpu.wait_dma2 semaphore(%run_scoped3A_114 : memref<!tpu.dma_semaphore, #tpu.memory_space<semaphore_mem>>) src(%dma_wait3A_130 : memref<83x128xi32, #tpu.memory_space<hbm>>) dst(%arg7 : memref<83x128xi32, #tpu.memory_space<vmem>>)
      tpu.yield
    }) : () -> ()
    "tpu.region"() ({
      %run_scoped3A_114 = tpu.sem_alloc : memref<!tpu.dma_semaphore, #tpu.memory_space<semaphore_mem>>
      %dma_start3A_115 = arith.constant 0 : i32
      %dma_start3A_116 = arith.constant 0 : i32
      %dma_start3A_117 = tpu.memref_slice %arg4[%add3A, %dma_start3A_115, %dma_start3A_116] : memref<32x80x128xi32, #tpu.memory_space<hbm>> -> memref<1x80x128xi32, #tpu.memory_space<hbm>>
      %dma_start3A_118 = tpu.memref_squeeze %dma_start3A_117 : memref<1x80x128xi32, #tpu.memory_space<hbm>> -> memref<80x128xi32, #tpu.memory_space<hbm>>
      %dma_start3A_119 = arith.constant 0 : i32
      %dma_start3A_120 = arith.constant 0 : i32
      %dma_start3A_121 = tpu.memref_slice %arg4[%add3A, %dma_start3A_119, %dma_start3A_120] : memref<32x80x128xi32, #tpu.memory_space<hbm>> -> memref<1x80x128xi32, #tpu.memory_space<hbm>>
      %dma_start3A_122 = tpu.memref_squeeze %dma_start3A_121 : memref<1x80x128xi32, #tpu.memory_space<hbm>> -> memref<80x128xi32, #tpu.memory_space<hbm>>
      tpu.enqueue_dma source(%dma_start3A_122 : memref<80x128xi32, #tpu.memory_space<hbm>>) target(%arg8 : memref<80x128xi32, #tpu.memory_space<vmem>>) target_semaphore(%run_scoped3A_114 : memref<!tpu.dma_semaphore, #tpu.memory_space<semaphore_mem>>)
      %dma_wait3A_123 = arith.constant 0 : i32
      %dma_wait3A_124 = arith.constant 0 : i32
      %dma_wait3A_125 = tpu.memref_slice %arg4[%add3A, %dma_wait3A_123, %dma_wait3A_124] : memref<32x80x128xi32, #tpu.memory_space<hbm>> -> memref<1x80x128xi32, #tpu.memory_space<hbm>>
      %dma_wait3A_126 = tpu.memref_squeeze %dma_wait3A_125 : memref<1x80x128xi32, #tpu.memory_space<hbm>> -> memref<80x128xi32, #tpu.memory_space<hbm>>
      %dma_wait3A_127 = arith.constant 0 : i32
      %dma_wait3A_128 = arith.constant 0 : i32
      %dma_wait3A_129 = tpu.memref_slice %arg4[%add3A, %dma_wait3A_127, %dma_wait3A_128] : memref<32x80x128xi32, #tpu.memory_space<hbm>> -> memref<1x80x128xi32, #tpu.memory_space<hbm>>
      %dma_wait3A_130 = tpu.memref_squeeze %dma_wait3A_129 : memref<1x80x128xi32, #tpu.memory_space<hbm>> -> memref<80x128xi32, #tpu.memory_space<hbm>>
      tpu.wait_dma2 semaphore(%run_scoped3A_114 : memref<!tpu.dma_semaphore, #tpu.memory_space<semaphore_mem>>) src(%dma_wait3A_130 : memref<80x128xi32, #tpu.memory_space<hbm>>) dst(%arg8 : memref<80x128xi32, #tpu.memory_space<vmem>>)
      tpu.yield
    }) : () -> ()
    %mul3A_1 = arith.constant 625 : i32
    %mul3A_2 = arith.muli %arg1, %mul3A_1 : i32
    %mul3A_3 = arith.constant 625 : i32
    %mul3A_4 = arith.muli %arg1, %mul3A_3 : i32
    "tpu.region"() ({
      %run_scoped3A_114 = tpu.sem_alloc : memref<!tpu.dma_semaphore, #tpu.memory_space<semaphore_mem>>
      %dma_start3A_115 = arith.constant 0 : i32
      %dma_start3A_116 = tpu.memref_slice %arg11[%mul3A_4, %dma_start3A_115] : memref<10000x64xf32, #tpu.memory_space<vmem_shared>> -> memref<625x64xf32, #tpu.memory_space<vmem_shared>>
      %dma_start3A_117 = arith.constant 0 : i32
      %dma_start3A_118 = tpu.memref_slice %arg2[%mul3A_2, %dma_start3A_117] : memref<10000x64xf32, #tpu.memory_space<hbm>> -> memref<625x64xf32, #tpu.memory_space<hbm>>
      tpu.enqueue_dma source(%dma_start3A_118 : memref<625x64xf32, #tpu.memory_space<hbm>>) target(%dma_start3A_116 : memref<625x64xf32, #tpu.memory_space<vmem_shared>>) target_semaphore(%run_scoped3A_114 : memref<!tpu.dma_semaphore, #tpu.memory_space<semaphore_mem>>)
      %dma_wait3A_119 = arith.constant 0 : i32
      %dma_wait3A_120 = tpu.memref_slice %arg11[%mul3A_4, %dma_wait3A_119] : memref<10000x64xf32, #tpu.memory_space<vmem_shared>> -> memref<625x64xf32, #tpu.memory_space<vmem_shared>>
      %dma_wait3A_121 = arith.constant 0 : i32
      %dma_wait3A_122 = tpu.memref_slice %arg2[%mul3A_2, %dma_wait3A_121] : memref<10000x64xf32, #tpu.memory_space<hbm>> -> memref<625x64xf32, #tpu.memory_space<hbm>>
      tpu.wait_dma2 semaphore(%run_scoped3A_114 : memref<!tpu.dma_semaphore, #tpu.memory_space<semaphore_mem>>) src(%dma_wait3A_122 : memref<625x64xf32, #tpu.memory_space<hbm>>) dst(%dma_wait3A_120 : memref<625x64xf32, #tpu.memory_space<vmem_shared>>)
      tpu.yield
    }) : () -> ()
    %run_scoped3A = arith.constant 0 : i32
    "tpu.region"() ({
      %run_scoped3A_114 = tpu.sem_alloc : memref<!tpu.dma_semaphore, #tpu.memory_space<semaphore_mem>>
      %dma_start3A_115 = arith.constant 0 : i32
      %dma_start3A_116 = arith.constant 0 : i32
      %dma_start3A_117 = tpu.memref_slice %arg9[%run_scoped3A, %dma_start3A_115, %dma_start3A_116] : memref<3x128x64xf32, #tpu.memory_space<vmem>> -> memref<1x128x64xf32, #tpu.memory_space<vmem>>
      %dma_start3A_118 = tpu.memref_squeeze %dma_start3A_117 : memref<1x128x64xf32, #tpu.memory_space<vmem>> -> memref<128x64xf32, #tpu.memory_space<vmem>>
      %dma_start3A_119 = arith.constant 0 : i32
      %dma_start3A_120 = arith.constant 0 : i32
      %dma_start3A_121 = tpu.memref_slice %arg9[%run_scoped3A, %dma_start3A_119, %dma_start3A_120] : memref<3x128x64xf32, #tpu.memory_space<vmem>> -> memref<1x128x64xf32, #tpu.memory_space<vmem>>
      %dma_start3A_122 = tpu.memref_squeeze %dma_start3A_121 : memref<1x128x64xf32, #tpu.memory_space<vmem>> -> memref<128x64xf32, #tpu.memory_space<vmem>>
      tpu.enqueue_dma source(%arg5 : memref<128x64xf32, #tpu.memory_space<hbm>>) target(%dma_start3A_122 : memref<128x64xf32, #tpu.memory_space<vmem>>) target_semaphore(%run_scoped3A_114 : memref<!tpu.dma_semaphore, #tpu.memory_space<semaphore_mem>>)
      %dma_wait3A_123 = arith.constant 0 : i32
      %dma_wait3A_124 = arith.constant 0 : i32
      %dma_wait3A_125 = tpu.memref_slice %arg9[%run_scoped3A, %dma_wait3A_123, %dma_wait3A_124] : memref<3x128x64xf32, #tpu.memory_space<vmem>> -> memref<1x128x64xf32, #tpu.memory_space<vmem>>
      %dma_wait3A_126 = tpu.memref_squeeze %dma_wait3A_125 : memref<1x128x64xf32, #tpu.memory_space<vmem>> -> memref<128x64xf32, #tpu.memory_space<vmem>>
      %dma_wait3A_127 = arith.constant 0 : i32
      %dma_wait3A_128 = arith.constant 0 : i32
      %dma_wait3A_129 = tpu.memref_slice %arg9[%run_scoped3A, %dma_wait3A_127, %dma_wait3A_128] : memref<3x128x64xf32, #tpu.memory_space<vmem>> -> memref<1x128x64xf32, #tpu.memory_space<vmem>>
      %dma_wait3A_130 = tpu.memref_squeeze %dma_wait3A_129 : memref<1x128x64xf32, #tpu.memory_space<vmem>> -> memref<128x64xf32, #tpu.memory_space<vmem>>
      tpu.wait_dma2 semaphore(%run_scoped3A_114 : memref<!tpu.dma_semaphore, #tpu.memory_space<semaphore_mem>>) src(%arg5 : memref<128x64xf32, #tpu.memory_space<hbm>>) dst(%dma_wait3A_130 : memref<128x64xf32, #tpu.memory_space<vmem>>)
      tpu.yield
    }) : () -> ()
    %mul3A_5 = arith.constant 640 : i32
    %mul3A_6 = arith.muli %arg1, %mul3A_5 : i32
    %add3A_7 = arith.constant 0 : i32
    %add3A_8 = arith.addi %mul3A_6, %add3A_7 : i32
    %run_scoped3A_9 = arith.constant 0 : i32
    "tpu.region"() ({
      %run_scoped3A_114 = tpu.sem_alloc : memref<!tpu.dma_semaphore, #tpu.memory_space<semaphore_mem>>
      %dma_start3A_115 = arith.constant 0 : i32
      %dma_start3A_116 = arith.constant 0 : i32
      %dma_start3A_117 = tpu.memref_slice %arg9[%run_scoped3A_9, %dma_start3A_115, %dma_start3A_116] : memref<3x128x64xf32, #tpu.memory_space<vmem>> -> memref<1x128x64xf32, #tpu.memory_space<vmem>>
      %dma_start3A_118 = tpu.memref_squeeze %dma_start3A_117 : memref<1x128x64xf32, #tpu.memory_space<vmem>> -> memref<128x64xf32, #tpu.memory_space<vmem>>
      %dma_start3A_119 = arith.constant 0 : i32
      %dma_start3A_120 = tpu.memref_slice %arg10[%add3A_8, %dma_start3A_119] : memref<10240x64xf32, #tpu.memory_space<vmem_shared>> -> memref<128x64xf32, #tpu.memory_space<vmem_shared>>
      %dma_start3A_121 = arith.constant 0 : i32
      %dma_start3A_122 = tpu.memref_slice %arg10[%add3A_8, %dma_start3A_121] : memref<10240x64xf32, #tpu.memory_space<vmem_shared>> -> memref<128x64xf32, #tpu.memory_space<vmem_shared>>
      %dma_start3A_123 = arith.constant 0 : i32
      %dma_start3A_124 = arith.constant 0 : i32
      %dma_start3A_125 = tpu.memref_slice %arg9[%run_scoped3A_9, %dma_start3A_123, %dma_start3A_124] : memref<3x128x64xf32, #tpu.memory_space<vmem>> -> memref<1x128x64xf32, #tpu.memory_space<vmem>>
      %dma_start3A_126 = tpu.memref_squeeze %dma_start3A_125 : memref<1x128x64xf32, #tpu.memory_space<vmem>> -> memref<128x64xf32, #tpu.memory_space<vmem>>
      tpu.enqueue_dma source(%dma_start3A_126 : memref<128x64xf32, #tpu.memory_space<vmem>>) target(%dma_start3A_122 : memref<128x64xf32, #tpu.memory_space<vmem_shared>>) target_semaphore(%run_scoped3A_114 : memref<!tpu.dma_semaphore, #tpu.memory_space<semaphore_mem>>)
      %dma_wait3A_127 = arith.constant 0 : i32
      %dma_wait3A_128 = arith.constant 0 : i32
      %dma_wait3A_129 = tpu.memref_slice %arg9[%run_scoped3A_9, %dma_wait3A_127, %dma_wait3A_128] : memref<3x128x64xf32, #tpu.memory_space<vmem>> -> memref<1x128x64xf32, #tpu.memory_space<vmem>>
      %dma_wait3A_130 = tpu.memref_squeeze %dma_wait3A_129 : memref<1x128x64xf32, #tpu.memory_space<vmem>> -> memref<128x64xf32, #tpu.memory_space<vmem>>
      %dma_wait3A_131 = arith.constant 0 : i32
      %dma_wait3A_132 = tpu.memref_slice %arg10[%add3A_8, %dma_wait3A_131] : memref<10240x64xf32, #tpu.memory_space<vmem_shared>> -> memref<128x64xf32, #tpu.memory_space<vmem_shared>>
      %dma_wait3A_133 = arith.constant 0 : i32
      %dma_wait3A_134 = tpu.memref_slice %arg10[%add3A_8, %dma_wait3A_133] : memref<10240x64xf32, #tpu.memory_space<vmem_shared>> -> memref<128x64xf32, #tpu.memory_space<vmem_shared>>
      %dma_wait3A_135 = arith.constant 0 : i32
      %dma_wait3A_136 = arith.constant 0 : i32
      %dma_wait3A_137 = tpu.memref_slice %arg9[%run_scoped3A_9, %dma_wait3A_135, %dma_wait3A_136] : memref<3x128x64xf32, #tpu.memory_space<vmem>> -> memref<1x128x64xf32, #tpu.memory_space<vmem>>
      %dma_wait3A_138 = tpu.memref_squeeze %dma_wait3A_137 : memref<1x128x64xf32, #tpu.memory_space<vmem>> -> memref<128x64xf32, #tpu.memory_space<vmem>>
      tpu.wait_dma2 semaphore(%run_scoped3A_114 : memref<!tpu.dma_semaphore, #tpu.memory_space<semaphore_mem>>) src(%dma_wait3A_138 : memref<128x64xf32, #tpu.memory_space<vmem>>) dst(%dma_wait3A_134 : memref<128x64xf32, #tpu.memory_space<vmem_shared>>)
      tpu.yield
    }) : () -> ()
    %mul3A_10 = arith.constant 640 : i32
    %mul3A_11 = arith.muli %arg1, %mul3A_10 : i32
    %add3A_12 = arith.constant 128 : i32
    %add3A_13 = arith.addi %mul3A_11, %add3A_12 : i32
    %run_scoped3A_14 = arith.constant 0 : i32
    "tpu.region"() ({
      %run_scoped3A_114 = tpu.sem_alloc : memref<!tpu.dma_semaphore, #tpu.memory_space<semaphore_mem>>
      %dma_start3A_115 = arith.constant 0 : i32
      %dma_start3A_116 = arith.constant 0 : i32
      %dma_start3A_117 = tpu.memref_slice %arg9[%run_scoped3A_14, %dma_start3A_115, %dma_start3A_116] : memref<3x128x64xf32, #tpu.memory_space<vmem>> -> memref<1x128x64xf32, #tpu.memory_space<vmem>>
      %dma_start3A_118 = tpu.memref_squeeze %dma_start3A_117 : memref<1x128x64xf32, #tpu.memory_space<vmem>> -> memref<128x64xf32, #tpu.memory_space<vmem>>
      %dma_start3A_119 = arith.constant 0 : i32
      %dma_start3A_120 = tpu.memref_slice %arg10[%add3A_13, %dma_start3A_119] : memref<10240x64xf32, #tpu.memory_space<vmem_shared>> -> memref<128x64xf32, #tpu.memory_space<vmem_shared>>
      %dma_start3A_121 = arith.constant 0 : i32
      %dma_start3A_122 = tpu.memref_slice %arg10[%add3A_13, %dma_start3A_121] : memref<10240x64xf32, #tpu.memory_space<vmem_shared>> -> memref<128x64xf32, #tpu.memory_space<vmem_shared>>
      %dma_start3A_123 = arith.constant 0 : i32
      %dma_start3A_124 = arith.constant 0 : i32
      %dma_start3A_125 = tpu.memref_slice %arg9[%run_scoped3A_14, %dma_start3A_123, %dma_start3A_124] : memref<3x128x64xf32, #tpu.memory_space<vmem>> -> memref<1x128x64xf32, #tpu.memory_space<vmem>>
      %dma_start3A_126 = tpu.memref_squeeze %dma_start3A_125 : memref<1x128x64xf32, #tpu.memory_space<vmem>> -> memref<128x64xf32, #tpu.memory_space<vmem>>
      tpu.enqueue_dma source(%dma_start3A_126 : memref<128x64xf32, #tpu.memory_space<vmem>>) target(%dma_start3A_122 : memref<128x64xf32, #tpu.memory_space<vmem_shared>>) target_semaphore(%run_scoped3A_114 : memref<!tpu.dma_semaphore, #tpu.memory_space<semaphore_mem>>)
      %dma_wait3A_127 = arith.constant 0 : i32
      %dma_wait3A_128 = arith.constant 0 : i32
      %dma_wait3A_129 = tpu.memref_slice %arg9[%run_scoped3A_14, %dma_wait3A_127, %dma_wait3A_128] : memref<3x128x64xf32, #tpu.memory_space<vmem>> -> memref<1x128x64xf32, #tpu.memory_space<vmem>>
      %dma_wait3A_130 = tpu.memref_squeeze %dma_wait3A_129 : memref<1x128x64xf32, #tpu.memory_space<vmem>> -> memref<128x64xf32, #tpu.memory_space<vmem>>
      %dma_wait3A_131 = arith.constant 0 : i32
      %dma_wait3A_132 = tpu.memref_slice %arg10[%add3A_13, %dma_wait3A_131] : memref<10240x64xf32, #tpu.memory_space<vmem_shared>> -> memref<128x64xf32, #tpu.memory_space<vmem_shared>>
      %dma_wait3A_133 = arith.constant 0 : i32
      %dma_wait3A_134 = tpu.memref_slice %arg10[%add3A_13, %dma_wait3A_133] : memref<10240x64xf32, #tpu.memory_space<vmem_shared>> -> memref<128x64xf32, #tpu.memory_space<vmem_shared>>
      %dma_wait3A_135 = arith.constant 0 : i32
      %dma_wait3A_136 = arith.constant 0 : i32
      %dma_wait3A_137 = tpu.memref_slice %arg9[%run_scoped3A_14, %dma_wait3A_135, %dma_wait3A_136] : memref<3x128x64xf32, #tpu.memory_space<vmem>> -> memref<1x128x64xf32, #tpu.memory_space<vmem>>
      %dma_wait3A_138 = tpu.memref_squeeze %dma_wait3A_137 : memref<1x128x64xf32, #tpu.memory_space<vmem>> -> memref<128x64xf32, #tpu.memory_space<vmem>>
      tpu.wait_dma2 semaphore(%run_scoped3A_114 : memref<!tpu.dma_semaphore, #tpu.memory_space<semaphore_mem>>) src(%dma_wait3A_138 : memref<128x64xf32, #tpu.memory_space<vmem>>) dst(%dma_wait3A_134 : memref<128x64xf32, #tpu.memory_space<vmem_shared>>)
      tpu.yield
    }) : () -> ()
    %mul3A_15 = arith.constant 640 : i32
    %mul3A_16 = arith.muli %arg1, %mul3A_15 : i32
    %add3A_17 = arith.constant 256 : i32
    %add3A_18 = arith.addi %mul3A_16, %add3A_17 : i32
    %run_scoped3A_19 = arith.constant 0 : i32
    "tpu.region"() ({
      %run_scoped3A_114 = tpu.sem_alloc : memref<!tpu.dma_semaphore, #tpu.memory_space<semaphore_mem>>
      %dma_start3A_115 = arith.constant 0 : i32
      %dma_start3A_116 = arith.constant 0 : i32
      %dma_start3A_117 = tpu.memref_slice %arg9[%run_scoped3A_19, %dma_start3A_115, %dma_start3A_116] : memref<3x128x64xf32, #tpu.memory_space<vmem>> -> memref<1x128x64xf32, #tpu.memory_space<vmem>>
      %dma_start3A_118 = tpu.memref_squeeze %dma_start3A_117 : memref<1x128x64xf32, #tpu.memory_space<vmem>> -> memref<128x64xf32, #tpu.memory_space<vmem>>
      %dma_start3A_119 = arith.constant 0 : i32
      %dma_start3A_120 = tpu.memref_slice %arg10[%add3A_18, %dma_start3A_119] : memref<10240x64xf32, #tpu.memory_space<vmem_shared>> -> memref<128x64xf32, #tpu.memory_space<vmem_shared>>
      %dma_start3A_121 = arith.constant 0 : i32
      %dma_start3A_122 = tpu.memref_slice %arg10[%add3A_18, %dma_start3A_121] : memref<10240x64xf32, #tpu.memory_space<vmem_shared>> -> memref<128x64xf32, #tpu.memory_space<vmem_shared>>
      %dma_start3A_123 = arith.constant 0 : i32
      %dma_start3A_124 = arith.constant 0 : i32
      %dma_start3A_125 = tpu.memref_slice %arg9[%run_scoped3A_19, %dma_start3A_123, %dma_start3A_124] : memref<3x128x64xf32, #tpu.memory_space<vmem>> -> memref<1x128x64xf32, #tpu.memory_space<vmem>>
      %dma_start3A_126 = tpu.memref_squeeze %dma_start3A_125 : memref<1x128x64xf32, #tpu.memory_space<vmem>> -> memref<128x64xf32, #tpu.memory_space<vmem>>
      tpu.enqueue_dma source(%dma_start3A_126 : memref<128x64xf32, #tpu.memory_space<vmem>>) target(%dma_start3A_122 : memref<128x64xf32, #tpu.memory_space<vmem_shared>>) target_semaphore(%run_scoped3A_114 : memref<!tpu.dma_semaphore, #tpu.memory_space<semaphore_mem>>)
      %dma_wait3A_127 = arith.constant 0 : i32
      %dma_wait3A_128 = arith.constant 0 : i32
      %dma_wait3A_129 = tpu.memref_slice %arg9[%run_scoped3A_19, %dma_wait3A_127, %dma_wait3A_128] : memref<3x128x64xf32, #tpu.memory_space<vmem>> -> memref<1x128x64xf32, #tpu.memory_space<vmem>>
      %dma_wait3A_130 = tpu.memref_squeeze %dma_wait3A_129 : memref<1x128x64xf32, #tpu.memory_space<vmem>> -> memref<128x64xf32, #tpu.memory_space<vmem>>
      %dma_wait3A_131 = arith.constant 0 : i32
      %dma_wait3A_132 = tpu.memref_slice %arg10[%add3A_18, %dma_wait3A_131] : memref<10240x64xf32, #tpu.memory_space<vmem_shared>> -> memref<128x64xf32, #tpu.memory_space<vmem_shared>>
      %dma_wait3A_133 = arith.constant 0 : i32
      %dma_wait3A_134 = tpu.memref_slice %arg10[%add3A_18, %dma_wait3A_133] : memref<10240x64xf32, #tpu.memory_space<vmem_shared>> -> memref<128x64xf32, #tpu.memory_space<vmem_shared>>
      %dma_wait3A_135 = arith.constant 0 : i32
      %dma_wait3A_136 = arith.constant 0 : i32
      %dma_wait3A_137 = tpu.memref_slice %arg9[%run_scoped3A_19, %dma_wait3A_135, %dma_wait3A_136] : memref<3x128x64xf32, #tpu.memory_space<vmem>> -> memref<1x128x64xf32, #tpu.memory_space<vmem>>
      %dma_wait3A_138 = tpu.memref_squeeze %dma_wait3A_137 : memref<1x128x64xf32, #tpu.memory_space<vmem>> -> memref<128x64xf32, #tpu.memory_space<vmem>>
      tpu.wait_dma2 semaphore(%run_scoped3A_114 : memref<!tpu.dma_semaphore, #tpu.memory_space<semaphore_mem>>) src(%dma_wait3A_138 : memref<128x64xf32, #tpu.memory_space<vmem>>) dst(%dma_wait3A_134 : memref<128x64xf32, #tpu.memory_space<vmem_shared>>)
      tpu.yield
    }) : () -> ()
    %mul3A_20 = arith.constant 640 : i32
    %mul3A_21 = arith.muli %arg1, %mul3A_20 : i32
    %add3A_22 = arith.constant 384 : i32
    %add3A_23 = arith.addi %mul3A_21, %add3A_22 : i32
    %run_scoped3A_24 = arith.constant 0 : i32
    "tpu.region"() ({
      %run_scoped3A_114 = tpu.sem_alloc : memref<!tpu.dma_semaphore, #tpu.memory_space<semaphore_mem>>
      %dma_start3A_115 = arith.constant 0 : i32
      %dma_start3A_116 = arith.constant 0 : i32
      %dma_start3A_117 = tpu.memref_slice %arg9[%run_scoped3A_24, %dma_start3A_115, %dma_start3A_116] : memref<3x128x64xf32, #tpu.memory_space<vmem>> -> memref<1x128x64xf32, #tpu.memory_space<vmem>>
      %dma_start3A_118 = tpu.memref_squeeze %dma_start3A_117 : memref<1x128x64xf32, #tpu.memory_space<vmem>> -> memref<128x64xf32, #tpu.memory_space<vmem>>
      %dma_start3A_119 = arith.constant 0 : i32
      %dma_start3A_120 = tpu.memref_slice %arg10[%add3A_23, %dma_start3A_119] : memref<10240x64xf32, #tpu.memory_space<vmem_shared>> -> memref<128x64xf32, #tpu.memory_space<vmem_shared>>
      %dma_start3A_121 = arith.constant 0 : i32
      %dma_start3A_122 = tpu.memref_slice %arg10[%add3A_23, %dma_start3A_121] : memref<10240x64xf32, #tpu.memory_space<vmem_shared>> -> memref<128x64xf32, #tpu.memory_space<vmem_shared>>
      %dma_start3A_123 = arith.constant 0 : i32
      %dma_start3A_124 = arith.constant 0 : i32
      %dma_start3A_125 = tpu.memref_slice %arg9[%run_scoped3A_24, %dma_start3A_123, %dma_start3A_124] : memref<3x128x64xf32, #tpu.memory_space<vmem>> -> memref<1x128x64xf32, #tpu.memory_space<vmem>>
      %dma_start3A_126 = tpu.memref_squeeze %dma_start3A_125 : memref<1x128x64xf32, #tpu.memory_space<vmem>> -> memref<128x64xf32, #tpu.memory_space<vmem>>
      tpu.enqueue_dma source(%dma_start3A_126 : memref<128x64xf32, #tpu.memory_space<vmem>>) target(%dma_start3A_122 : memref<128x64xf32, #tpu.memory_space<vmem_shared>>) target_semaphore(%run_scoped3A_114 : memref<!tpu.dma_semaphore, #tpu.memory_space<semaphore_mem>>)
      %dma_wait3A_127 = arith.constant 0 : i32
      %dma_wait3A_128 = arith.constant 0 : i32
      %dma_wait3A_129 = tpu.memref_slice %arg9[%run_scoped3A_24, %dma_wait3A_127, %dma_wait3A_128] : memref<3x128x64xf32, #tpu.memory_space<vmem>> -> memref<1x128x64xf32, #tpu.memory_space<vmem>>
      %dma_wait3A_130 = tpu.memref_squeeze %dma_wait3A_129 : memref<1x128x64xf32, #tpu.memory_space<vmem>> -> memref<128x64xf32, #tpu.memory_space<vmem>>
      %dma_wait3A_131 = arith.constant 0 : i32
      %dma_wait3A_132 = tpu.memref_slice %arg10[%add3A_23, %dma_wait3A_131] : memref<10240x64xf32, #tpu.memory_space<vmem_shared>> -> memref<128x64xf32, #tpu.memory_space<vmem_shared>>
      %dma_wait3A_133 = arith.constant 0 : i32
      %dma_wait3A_134 = tpu.memref_slice %arg10[%add3A_23, %dma_wait3A_133] : memref<10240x64xf32, #tpu.memory_space<vmem_shared>> -> memref<128x64xf32, #tpu.memory_space<vmem_shared>>
      %dma_wait3A_135 = arith.constant 0 : i32
      %dma_wait3A_136 = arith.constant 0 : i32
      %dma_wait3A_137 = tpu.memref_slice %arg9[%run_scoped3A_24, %dma_wait3A_135, %dma_wait3A_136] : memref<3x128x64xf32, #tpu.memory_space<vmem>> -> memref<1x128x64xf32, #tpu.memory_space<vmem>>
      %dma_wait3A_138 = tpu.memref_squeeze %dma_wait3A_137 : memref<1x128x64xf32, #tpu.memory_space<vmem>> -> memref<128x64xf32, #tpu.memory_space<vmem>>
      tpu.wait_dma2 semaphore(%run_scoped3A_114 : memref<!tpu.dma_semaphore, #tpu.memory_space<semaphore_mem>>) src(%dma_wait3A_138 : memref<128x64xf32, #tpu.memory_space<vmem>>) dst(%dma_wait3A_134 : memref<128x64xf32, #tpu.memory_space<vmem_shared>>)
      tpu.yield
    }) : () -> ()
    %mul3A_25 = arith.constant 640 : i32
    %mul3A_26 = arith.muli %arg1, %mul3A_25 : i32
    %add3A_27 = arith.constant 512 : i32
    %add3A_28 = arith.addi %mul3A_26, %add3A_27 : i32
    %run_scoped3A_29 = arith.constant 0 : i32
    "tpu.region"() ({
      %run_scoped3A_114 = tpu.sem_alloc : memref<!tpu.dma_semaphore, #tpu.memory_space<semaphore_mem>>
      %dma_start3A_115 = arith.constant 0 : i32
      %dma_start3A_116 = arith.constant 0 : i32
      %dma_start3A_117 = tpu.memref_slice %arg9[%run_scoped3A_29, %dma_start3A_115, %dma_start3A_116] : memref<3x128x64xf32, #tpu.memory_space<vmem>> -> memref<1x128x64xf32, #tpu.memory_space<vmem>>
      %dma_start3A_118 = tpu.memref_squeeze %dma_start3A_117 : memref<1x128x64xf32, #tpu.memory_space<vmem>> -> memref<128x64xf32, #tpu.memory_space<vmem>>
      %dma_start3A_119 = arith.constant 0 : i32
      %dma_start3A_120 = tpu.memref_slice %arg10[%add3A_28, %dma_start3A_119] : memref<10240x64xf32, #tpu.memory_space<vmem_shared>> -> memref<128x64xf32, #tpu.memory_space<vmem_shared>>
      %dma_start3A_121 = arith.constant 0 : i32
      %dma_start3A_122 = tpu.memref_slice %arg10[%add3A_28, %dma_start3A_121] : memref<10240x64xf32, #tpu.memory_space<vmem_shared>> -> memref<128x64xf32, #tpu.memory_space<vmem_shared>>
      %dma_start3A_123 = arith.constant 0 : i32
      %dma_start3A_124 = arith.constant 0 : i32
      %dma_start3A_125 = tpu.memref_slice %arg9[%run_scoped3A_29, %dma_start3A_123, %dma_start3A_124] : memref<3x128x64xf32, #tpu.memory_space<vmem>> -> memref<1x128x64xf32, #tpu.memory_space<vmem>>
      %dma_start3A_126 = tpu.memref_squeeze %dma_start3A_125 : memref<1x128x64xf32, #tpu.memory_space<vmem>> -> memref<128x64xf32, #tpu.memory_space<vmem>>
      tpu.enqueue_dma source(%dma_start3A_126 : memref<128x64xf32, #tpu.memory_space<vmem>>) target(%dma_start3A_122 : memref<128x64xf32, #tpu.memory_space<vmem_shared>>) target_semaphore(%run_scoped3A_114 : memref<!tpu.dma_semaphore, #tpu.memory_space<semaphore_mem>>)
      %dma_wait3A_127 = arith.constant 0 : i32
      %dma_wait3A_128 = arith.constant 0 : i32
      %dma_wait3A_129 = tpu.memref_slice %arg9[%run_scoped3A_29, %dma_wait3A_127, %dma_wait3A_128] : memref<3x128x64xf32, #tpu.memory_space<vmem>> -> memref<1x128x64xf32, #tpu.memory_space<vmem>>
      %dma_wait3A_130 = tpu.memref_squeeze %dma_wait3A_129 : memref<1x128x64xf32, #tpu.memory_space<vmem>> -> memref<128x64xf32, #tpu.memory_space<vmem>>
      %dma_wait3A_131 = arith.constant 0 : i32
      %dma_wait3A_132 = tpu.memref_slice %arg10[%add3A_28, %dma_wait3A_131] : memref<10240x64xf32, #tpu.memory_space<vmem_shared>> -> memref<128x64xf32, #tpu.memory_space<vmem_shared>>
      %dma_wait3A_133 = arith.constant 0 : i32
      %dma_wait3A_134 = tpu.memref_slice %arg10[%add3A_28, %dma_wait3A_133] : memref<10240x64xf32, #tpu.memory_space<vmem_shared>> -> memref<128x64xf32, #tpu.memory_space<vmem_shared>>
      %dma_wait3A_135 = arith.constant 0 : i32
      %dma_wait3A_136 = arith.constant 0 : i32
      %dma_wait3A_137 = tpu.memref_slice %arg9[%run_scoped3A_29, %dma_wait3A_135, %dma_wait3A_136] : memref<3x128x64xf32, #tpu.memory_space<vmem>> -> memref<1x128x64xf32, #tpu.memory_space<vmem>>
      %dma_wait3A_138 = tpu.memref_squeeze %dma_wait3A_137 : memref<1x128x64xf32, #tpu.memory_space<vmem>> -> memref<128x64xf32, #tpu.memory_space<vmem>>
      tpu.wait_dma2 semaphore(%run_scoped3A_114 : memref<!tpu.dma_semaphore, #tpu.memory_space<semaphore_mem>>) src(%dma_wait3A_138 : memref<128x64xf32, #tpu.memory_space<vmem>>) dst(%dma_wait3A_134 : memref<128x64xf32, #tpu.memory_space<vmem_shared>>)
      tpu.yield
    }) : () -> ()
    %barrier3A = arith.constant 0 : index
    tpu.barrier barrier_id(%barrier3A)
    %dma_start3A = arith.constant 0 : i32
    %dma_start3A_30 = arith.constant 0 : i32
    %dma_start3A_31 = arith.constant 0 : i32
    %dma_start3A_32 = arith.constant 0 : i32
    %dma_start3A_33 = tpu.memref_slice %arg9[%dma_start3A_30, %dma_start3A_31, %dma_start3A_32] : memref<3x128x64xf32, #tpu.memory_space<vmem>> -> memref<1x128x64xf32, #tpu.memory_space<vmem>>
    %dma_start3A_34 = tpu.memref_squeeze %dma_start3A_33 : memref<1x128x64xf32, #tpu.memory_space<vmem>> -> memref<128x64xf32, #tpu.memory_space<vmem>>
    %dma_start3A_35 = arith.constant 0 : i32
    %dma_start3A_36 = tpu.memref_slice %arg7[%dma_start3A, %dma_start3A_35] : memref<83x128xi32, #tpu.memory_space<vmem>> -> memref<1x128xi32, #tpu.memory_space<vmem>>
    %dma_start3A_37 = tpu.memref_squeeze %dma_start3A_36 : memref<1x128xi32, #tpu.memory_space<vmem>> -> memref<128xi32, #tpu.memory_space<vmem>>
    %dma_start3A_38 = arith.constant 0 : i32
    %dma_start3A_39 = arith.constant 0 : i32
    %dma_start3A_40 = tpu.memref_slice %arg11[%dma_start3A_38, %dma_start3A_39] : memref<10000x64xf32, #tpu.memory_space<vmem_shared>> -> memref<10000x64xf32, #tpu.memory_space<vmem_shared>>
    tpu.enqueue_indirect_dma source(%dma_start3A_40 : memref<10000x64xf32, #tpu.memory_space<vmem_shared>>) target(%dma_start3A_34 : memref<128x64xf32, #tpu.memory_space<vmem>>) offsets(%dma_start3A_37 : memref<128xi32, #tpu.memory_space<vmem>>) semaphore(%arg12 : memref<!tpu.dma_semaphore, #tpu.memory_space<semaphore_mem>>)
    %dma_start3A_41 = arith.constant 1 : i32
    %dma_start3A_42 = arith.constant 1 : i32
    %dma_start3A_43 = arith.constant 0 : i32
    %dma_start3A_44 = arith.constant 0 : i32
    %dma_start3A_45 = tpu.memref_slice %arg9[%dma_start3A_42, %dma_start3A_43, %dma_start3A_44] : memref<3x128x64xf32, #tpu.memory_space<vmem>> -> memref<1x128x64xf32, #tpu.memory_space<vmem>>
    %dma_start3A_46 = tpu.memref_squeeze %dma_start3A_45 : memref<1x128x64xf32, #tpu.memory_space<vmem>> -> memref<128x64xf32, #tpu.memory_space<vmem>>
    %dma_start3A_47 = arith.constant 0 : i32
    %dma_start3A_48 = tpu.memref_slice %arg7[%dma_start3A_41, %dma_start3A_47] : memref<83x128xi32, #tpu.memory_space<vmem>> -> memref<1x128xi32, #tpu.memory_space<vmem>>
    %dma_start3A_49 = tpu.memref_squeeze %dma_start3A_48 : memref<1x128xi32, #tpu.memory_space<vmem>> -> memref<128xi32, #tpu.memory_space<vmem>>
    %dma_start3A_50 = arith.constant 0 : i32
    %dma_start3A_51 = arith.constant 0 : i32
    %dma_start3A_52 = tpu.memref_slice %arg11[%dma_start3A_50, %dma_start3A_51] : memref<10000x64xf32, #tpu.memory_space<vmem_shared>> -> memref<10000x64xf32, #tpu.memory_space<vmem_shared>>
    tpu.enqueue_indirect_dma source(%dma_start3A_52 : memref<10000x64xf32, #tpu.memory_space<vmem_shared>>) target(%dma_start3A_46 : memref<128x64xf32, #tpu.memory_space<vmem>>) offsets(%dma_start3A_49 : memref<128xi32, #tpu.memory_space<vmem>>) semaphore(%arg12 : memref<!tpu.dma_semaphore, #tpu.memory_space<semaphore_mem>>)
    %dma_start3A_53 = arith.constant 2 : i32
    %dma_start3A_54 = arith.constant 2 : i32
    %dma_start3A_55 = arith.constant 0 : i32
    %dma_start3A_56 = arith.constant 0 : i32
    %dma_start3A_57 = tpu.memref_slice %arg9[%dma_start3A_54, %dma_start3A_55, %dma_start3A_56] : memref<3x128x64xf32, #tpu.memory_space<vmem>> -> memref<1x128x64xf32, #tpu.memory_space<vmem>>
    %dma_start3A_58 = tpu.memref_squeeze %dma_start3A_57 : memref<1x128x64xf32, #tpu.memory_space<vmem>> -> memref<128x64xf32, #tpu.memory_space<vmem>>
    %dma_start3A_59 = arith.constant 0 : i32
    %dma_start3A_60 = tpu.memref_slice %arg7[%dma_start3A_53, %dma_start3A_59] : memref<83x128xi32, #tpu.memory_space<vmem>> -> memref<1x128xi32, #tpu.memory_space<vmem>>
    %dma_start3A_61 = tpu.memref_squeeze %dma_start3A_60 : memref<1x128xi32, #tpu.memory_space<vmem>> -> memref<128xi32, #tpu.memory_space<vmem>>
    %dma_start3A_62 = arith.constant 0 : i32
    %dma_start3A_63 = arith.constant 0 : i32
    %dma_start3A_64 = tpu.memref_slice %arg11[%dma_start3A_62, %dma_start3A_63] : memref<10000x64xf32, #tpu.memory_space<vmem_shared>> -> memref<10000x64xf32, #tpu.memory_space<vmem_shared>>
    tpu.enqueue_indirect_dma source(%dma_start3A_64 : memref<10000x64xf32, #tpu.memory_space<vmem_shared>>) target(%dma_start3A_58 : memref<128x64xf32, #tpu.memory_space<vmem>>) offsets(%dma_start3A_61 : memref<128xi32, #tpu.memory_space<vmem>>) semaphore(%arg12 : memref<!tpu.dma_semaphore, #tpu.memory_space<semaphore_mem>>)
    %scan3A = arith.constant 0 : i32
    %scan3A_65 = arith.constant 0 : i32
    %scan3A_66 = arith.constant 26 : i32
    %scan3A_67 = arith.addi %scan3A_65, %scan3A_66 : i32
    %scan3A_68 = arith.constant 1 : i32
    scf.for %scan3A_114 = %scan3A_65 to %scan3A_67 step %scan3A_68  : i32 {
      %mul3A_115 = arith.constant 3 : i32
      %mul3A_116 = arith.muli %scan3A_114, %mul3A_115 : i32
      %add3A_117 = arith.constant 0 : i32
      %add3A_118 = arith.addi %mul3A_116, %add3A_117 : i32
      %dma_wait3A_119 = arith.constant 0 : i32
      %dma_wait3A_120 = arith.constant 0 : i32
      %dma_wait3A_121 = arith.constant 0 : i32
      %dma_wait3A_122 = tpu.memref_slice %arg9[%dma_wait3A_119, %dma_wait3A_120, %dma_wait3A_121] : memref<3x128x64xf32, #tpu.memory_space<vmem>> -> memref<1x128x64xf32, #tpu.memory_space<vmem>>
      %dma_wait3A_123 = tpu.memref_squeeze %dma_wait3A_122 : memref<1x128x64xf32, #tpu.memory_space<vmem>> -> memref<128x64xf32, #tpu.memory_space<vmem>>
      %dma_wait3A_124 = arith.constant 0 : i32
      %dma_wait3A_125 = tpu.memref_slice %arg7[%add3A_118, %dma_wait3A_124] : memref<83x128xi32, #tpu.memory_space<vmem>> -> memref<1x128xi32, #tpu.memory_space<vmem>>
      %dma_wait3A_126 = tpu.memref_squeeze %dma_wait3A_125 : memref<1x128xi32, #tpu.memory_space<vmem>> -> memref<128xi32, #tpu.memory_space<vmem>>
      %dma_wait3A_127 = arith.constant 0 : i32
      %dma_wait3A_128 = arith.constant 0 : i32
      %dma_wait3A_129 = tpu.memref_slice %arg11[%dma_wait3A_127, %dma_wait3A_128] : memref<10000x64xf32, #tpu.memory_space<vmem_shared>> -> memref<10000x64xf32, #tpu.memory_space<vmem_shared>>
      tpu.wait_indirect_dma semaphore(%arg12 : memref<!tpu.dma_semaphore, #tpu.memory_space<semaphore_mem>>) src(%dma_wait3A_129 : memref<10000x64xf32, #tpu.memory_space<vmem_shared>>) dst(%dma_wait3A_123 : memref<128x64xf32, #tpu.memory_space<vmem>>)
      %run_scoped3A_130 = arith.constant 0 : i32
      "tpu.region"() ({
        %run_scoped3A_202 = tpu.sem_alloc : memref<!tpu.dma_semaphore, #tpu.memory_space<semaphore_mem>>
        %dma_start3A_203 = arith.constant 0 : i32
        %dma_start3A_204 = arith.constant 0 : i32
        %dma_start3A_205 = tpu.memref_slice %arg9[%run_scoped3A_130, %dma_start3A_203, %dma_start3A_204] : memref<3x128x64xf32, #tpu.memory_space<vmem>> -> memref<1x128x64xf32, #tpu.memory_space<vmem>>
        %dma_start3A_206 = tpu.memref_squeeze %dma_start3A_205 : memref<1x128x64xf32, #tpu.memory_space<vmem>> -> memref<128x64xf32, #tpu.memory_space<vmem>>
        %dma_start3A_207 = arith.constant 0 : i32
        %dma_start3A_208 = tpu.memref_slice %arg8[%add3A_118, %dma_start3A_207] : memref<80x128xi32, #tpu.memory_space<vmem>> -> memref<1x128xi32, #tpu.memory_space<vmem>>
        %dma_start3A_209 = tpu.memref_squeeze %dma_start3A_208 : memref<1x128xi32, #tpu.memory_space<vmem>> -> memref<128xi32, #tpu.memory_space<vmem>>
        %dma_start3A_210 = arith.constant 0 : i32
        %dma_start3A_211 = arith.constant 0 : i32
        %dma_start3A_212 = tpu.memref_slice %arg10[%dma_start3A_210, %dma_start3A_211] : memref<10240x64xf32, #tpu.memory_space<vmem_shared>> -> memref<10240x64xf32, #tpu.memory_space<vmem_shared>>
        tpu.enqueue_indirect_dma source(%dma_start3A_206 : memref<128x64xf32, #tpu.memory_space<vmem>>) target(%dma_start3A_212 : memref<10240x64xf32, #tpu.memory_space<vmem_shared>>) offsets(%dma_start3A_209 : memref<128xi32, #tpu.memory_space<vmem>>) semaphore(%run_scoped3A_202 : memref<!tpu.dma_semaphore, #tpu.memory_space<semaphore_mem>>) {add = true}
        %dma_wait3A_213 = arith.constant 0 : i32
        %dma_wait3A_214 = arith.constant 0 : i32
        %dma_wait3A_215 = tpu.memref_slice %arg9[%run_scoped3A_130, %dma_wait3A_213, %dma_wait3A_214] : memref<3x128x64xf32, #tpu.memory_space<vmem>> -> memref<1x128x64xf32, #tpu.memory_space<vmem>>
        %dma_wait3A_216 = tpu.memref_squeeze %dma_wait3A_215 : memref<1x128x64xf32, #tpu.memory_space<vmem>> -> memref<128x64xf32, #tpu.memory_space<vmem>>
        %dma_wait3A_217 = arith.constant 0 : i32
        %dma_wait3A_218 = tpu.memref_slice %arg8[%add3A_118, %dma_wait3A_217] : memref<80x128xi32, #tpu.memory_space<vmem>> -> memref<1x128xi32, #tpu.memory_space<vmem>>
        %dma_wait3A_219 = tpu.memref_squeeze %dma_wait3A_218 : memref<1x128xi32, #tpu.memory_space<vmem>> -> memref<128xi32, #tpu.memory_space<vmem>>
        %dma_wait3A_220 = arith.constant 0 : i32
        %dma_wait3A_221 = arith.constant 0 : i32
        %dma_wait3A_222 = tpu.memref_slice %arg10[%dma_wait3A_220, %dma_wait3A_221] : memref<10240x64xf32, #tpu.memory_space<vmem_shared>> -> memref<10240x64xf32, #tpu.memory_space<vmem_shared>>
        tpu.wait_indirect_dma semaphore(%run_scoped3A_202 : memref<!tpu.dma_semaphore, #tpu.memory_space<semaphore_mem>>) src(%dma_wait3A_216 : memref<128x64xf32, #tpu.memory_space<vmem>>) dst(%dma_wait3A_222 : memref<10240x64xf32, #tpu.memory_space<vmem_shared>>)
        tpu.yield
      }) : () -> ()
      %add3A_131 = arith.constant 3 : i32
      %add3A_132 = arith.addi %add3A_118, %add3A_131 : i32
      %dma_start3A_133 = arith.constant 0 : i32
      %dma_start3A_134 = arith.constant 0 : i32
      %dma_start3A_135 = arith.constant 0 : i32
      %dma_start3A_136 = tpu.memref_slice %arg9[%dma_start3A_133, %dma_start3A_134, %dma_start3A_135] : memref<3x128x64xf32, #tpu.memory_space<vmem>> -> memref<1x128x64xf32, #tpu.memory_space<vmem>>
      %dma_start3A_137 = tpu.memref_squeeze %dma_start3A_136 : memref<1x128x64xf32, #tpu.memory_space<vmem>> -> memref<128x64xf32, #tpu.memory_space<vmem>>
      %dma_start3A_138 = arith.constant 0 : i32
      %dma_start3A_139 = tpu.memref_slice %arg7[%add3A_132, %dma_start3A_138] : memref<83x128xi32, #tpu.memory_space<vmem>> -> memref<1x128xi32, #tpu.memory_space<vmem>>
      %dma_start3A_140 = tpu.memref_squeeze %dma_start3A_139 : memref<1x128xi32, #tpu.memory_space<vmem>> -> memref<128xi32, #tpu.memory_space<vmem>>
      %dma_start3A_141 = arith.constant 0 : i32
      %dma_start3A_142 = arith.constant 0 : i32
      %dma_start3A_143 = tpu.memref_slice %arg11[%dma_start3A_141, %dma_start3A_142] : memref<10000x64xf32, #tpu.memory_space<vmem_shared>> -> memref<10000x64xf32, #tpu.memory_space<vmem_shared>>
      tpu.enqueue_indirect_dma source(%dma_start3A_143 : memref<10000x64xf32, #tpu.memory_space<vmem_shared>>) target(%dma_start3A_137 : memref<128x64xf32, #tpu.memory_space<vmem>>) offsets(%dma_start3A_140 : memref<128xi32, #tpu.memory_space<vmem>>) semaphore(%arg12 : memref<!tpu.dma_semaphore, #tpu.memory_space<semaphore_mem>>)
      %mul3A_144 = arith.constant 3 : i32
      %mul3A_145 = arith.muli %scan3A_114, %mul3A_144 : i32
      %add3A_146 = arith.constant 1 : i32
      %add3A_147 = arith.addi %mul3A_145, %add3A_146 : i32
      %dma_wait3A_148 = arith.constant 1 : i32
      %dma_wait3A_149 = arith.constant 0 : i32
      %dma_wait3A_150 = arith.constant 0 : i32
      %dma_wait3A_151 = tpu.memref_slice %arg9[%dma_wait3A_148, %dma_wait3A_149, %dma_wait3A_150] : memref<3x128x64xf32, #tpu.memory_space<vmem>> -> memref<1x128x64xf32, #tpu.memory_space<vmem>>
      %dma_wait3A_152 = tpu.memref_squeeze %dma_wait3A_151 : memref<1x128x64xf32, #tpu.memory_space<vmem>> -> memref<128x64xf32, #tpu.memory_space<vmem>>
      %dma_wait3A_153 = arith.constant 0 : i32
      %dma_wait3A_154 = tpu.memref_slice %arg7[%add3A_147, %dma_wait3A_153] : memref<83x128xi32, #tpu.memory_space<vmem>> -> memref<1x128xi32, #tpu.memory_space<vmem>>
      %dma_wait3A_155 = tpu.memref_squeeze %dma_wait3A_154 : memref<1x128xi32, #tpu.memory_space<vmem>> -> memref<128xi32, #tpu.memory_space<vmem>>
      %dma_wait3A_156 = arith.constant 0 : i32
      %dma_wait3A_157 = arith.constant 0 : i32
      %dma_wait3A_158 = tpu.memref_slice %arg11[%dma_wait3A_156, %dma_wait3A_157] : memref<10000x64xf32, #tpu.memory_space<vmem_shared>> -> memref<10000x64xf32, #tpu.memory_space<vmem_shared>>
      tpu.wait_indirect_dma semaphore(%arg12 : memref<!tpu.dma_semaphore, #tpu.memory_space<semaphore_mem>>) src(%dma_wait3A_158 : memref<10000x64xf32, #tpu.memory_space<vmem_shared>>) dst(%dma_wait3A_152 : memref<128x64xf32, #tpu.memory_space<vmem>>)
      %run_scoped3A_159 = arith.constant 1 : i32
      "tpu.region"() ({
        %run_scoped3A_202 = tpu.sem_alloc : memref<!tpu.dma_semaphore, #tpu.memory_space<semaphore_mem>>
        %dma_start3A_203 = arith.constant 0 : i32
        %dma_start3A_204 = arith.constant 0 : i32
        %dma_start3A_205 = tpu.memref_slice %arg9[%run_scoped3A_159, %dma_start3A_203, %dma_start3A_204] : memref<3x128x64xf32, #tpu.memory_space<vmem>> -> memref<1x128x64xf32, #tpu.memory_space<vmem>>
        %dma_start3A_206 = tpu.memref_squeeze %dma_start3A_205 : memref<1x128x64xf32, #tpu.memory_space<vmem>> -> memref<128x64xf32, #tpu.memory_space<vmem>>
        %dma_start3A_207 = arith.constant 0 : i32
        %dma_start3A_208 = tpu.memref_slice %arg8[%add3A_147, %dma_start3A_207] : memref<80x128xi32, #tpu.memory_space<vmem>> -> memref<1x128xi32, #tpu.memory_space<vmem>>
        %dma_start3A_209 = tpu.memref_squeeze %dma_start3A_208 : memref<1x128xi32, #tpu.memory_space<vmem>> -> memref<128xi32, #tpu.memory_space<vmem>>
        %dma_start3A_210 = arith.constant 0 : i32
        %dma_start3A_211 = arith.constant 0 : i32
        %dma_start3A_212 = tpu.memref_slice %arg10[%dma_start3A_210, %dma_start3A_211] : memref<10240x64xf32, #tpu.memory_space<vmem_shared>> -> memref<10240x64xf32, #tpu.memory_space<vmem_shared>>
        tpu.enqueue_indirect_dma source(%dma_start3A_206 : memref<128x64xf32, #tpu.memory_space<vmem>>) target(%dma_start3A_212 : memref<10240x64xf32, #tpu.memory_space<vmem_shared>>) offsets(%dma_start3A_209 : memref<128xi32, #tpu.memory_space<vmem>>) semaphore(%run_scoped3A_202 : memref<!tpu.dma_semaphore, #tpu.memory_space<semaphore_mem>>) {add = true}
        %dma_wait3A_213 = arith.constant 0 : i32
        %dma_wait3A_214 = arith.constant 0 : i32
        %dma_wait3A_215 = tpu.memref_slice %arg9[%run_scoped3A_159, %dma_wait3A_213, %dma_wait3A_214] : memref<3x128x64xf32, #tpu.memory_space<vmem>> -> memref<1x128x64xf32, #tpu.memory_space<vmem>>
        %dma_wait3A_216 = tpu.memref_squeeze %dma_wait3A_215 : memref<1x128x64xf32, #tpu.memory_space<vmem>> -> memref<128x64xf32, #tpu.memory_space<vmem>>
        %dma_wait3A_217 = arith.constant 0 : i32
        %dma_wait3A_218 = tpu.memref_slice %arg8[%add3A_147, %dma_wait3A_217] : memref<80x128xi32, #tpu.memory_space<vmem>> -> memref<1x128xi32, #tpu.memory_space<vmem>>
        %dma_wait3A_219 = tpu.memref_squeeze %dma_wait3A_218 : memref<1x128xi32, #tpu.memory_space<vmem>> -> memref<128xi32, #tpu.memory_space<vmem>>
        %dma_wait3A_220 = arith.constant 0 : i32
        %dma_wait3A_221 = arith.constant 0 : i32
        %dma_wait3A_222 = tpu.memref_slice %arg10[%dma_wait3A_220, %dma_wait3A_221] : memref<10240x64xf32, #tpu.memory_space<vmem_shared>> -> memref<10240x64xf32, #tpu.memory_space<vmem_shared>>
        tpu.wait_indirect_dma semaphore(%run_scoped3A_202 : memref<!tpu.dma_semaphore, #tpu.memory_space<semaphore_mem>>) src(%dma_wait3A_216 : memref<128x64xf32, #tpu.memory_space<vmem>>) dst(%dma_wait3A_222 : memref<10240x64xf32, #tpu.memory_space<vmem_shared>>)
        tpu.yield
      }) : () -> ()
      %add3A_160 = arith.constant 3 : i32
      %add3A_161 = arith.addi %add3A_147, %add3A_160 : i32
      %dma_start3A_162 = arith.constant 1 : i32
      %dma_start3A_163 = arith.constant 0 : i32
      %dma_start3A_164 = arith.constant 0 : i32
      %dma_start3A_165 = tpu.memref_slice %arg9[%dma_start3A_162, %dma_start3A_163, %dma_start3A_164] : memref<3x128x64xf32, #tpu.memory_space<vmem>> -> memref<1x128x64xf32, #tpu.memory_space<vmem>>
      %dma_start3A_166 = tpu.memref_squeeze %dma_start3A_165 : memref<1x128x64xf32, #tpu.memory_space<vmem>> -> memref<128x64xf32, #tpu.memory_space<vmem>>
      %dma_start3A_167 = arith.constant 0 : i32
      %dma_start3A_168 = tpu.memref_slice %arg7[%add3A_161, %dma_start3A_167] : memref<83x128xi32, #tpu.memory_space<vmem>> -> memref<1x128xi32, #tpu.memory_space<vmem>>
      %dma_start3A_169 = tpu.memref_squeeze %dma_start3A_168 : memref<1x128xi32, #tpu.memory_space<vmem>> -> memref<128xi32, #tpu.memory_space<vmem>>
      %dma_start3A_170 = arith.constant 0 : i32
      %dma_start3A_171 = arith.constant 0 : i32
      %dma_start3A_172 = tpu.memref_slice %arg11[%dma_start3A_170, %dma_start3A_171] : memref<10000x64xf32, #tpu.memory_space<vmem_shared>> -> memref<10000x64xf32, #tpu.memory_space<vmem_shared>>
      tpu.enqueue_indirect_dma source(%dma_start3A_172 : memref<10000x64xf32, #tpu.memory_space<vmem_shared>>) target(%dma_start3A_166 : memref<128x64xf32, #tpu.memory_space<vmem>>) offsets(%dma_start3A_169 : memref<128xi32, #tpu.memory_space<vmem>>) semaphore(%arg12 : memref<!tpu.dma_semaphore, #tpu.memory_space<semaphore_mem>>)
      %mul3A_173 = arith.constant 3 : i32
      %mul3A_174 = arith.muli %scan3A_114, %mul3A_173 : i32
      %add3A_175 = arith.constant 2 : i32
      %add3A_176 = arith.addi %mul3A_174, %add3A_175 : i32
      %dma_wait3A_177 = arith.constant 2 : i32
      %dma_wait3A_178 = arith.constant 0 : i32
      %dma_wait3A_179 = arith.constant 0 : i32
      %dma_wait3A_180 = tpu.memref_slice %arg9[%dma_wait3A_177, %dma_wait3A_178, %dma_wait3A_179] : memref<3x128x64xf32, #tpu.memory_space<vmem>> -> memref<1x128x64xf32, #tpu.memory_space<vmem>>
      %dma_wait3A_181 = tpu.memref_squeeze %dma_wait3A_180 : memref<1x128x64xf32, #tpu.memory_space<vmem>> -> memref<128x64xf32, #tpu.memory_space<vmem>>
      %dma_wait3A_182 = arith.constant 0 : i32
      %dma_wait3A_183 = tpu.memref_slice %arg7[%add3A_176, %dma_wait3A_182] : memref<83x128xi32, #tpu.memory_space<vmem>> -> memref<1x128xi32, #tpu.memory_space<vmem>>
      %dma_wait3A_184 = tpu.memref_squeeze %dma_wait3A_183 : memref<1x128xi32, #tpu.memory_space<vmem>> -> memref<128xi32, #tpu.memory_space<vmem>>
      %dma_wait3A_185 = arith.constant 0 : i32
      %dma_wait3A_186 = arith.constant 0 : i32
      %dma_wait3A_187 = tpu.memref_slice %arg11[%dma_wait3A_185, %dma_wait3A_186] : memref<10000x64xf32, #tpu.memory_space<vmem_shared>> -> memref<10000x64xf32, #tpu.memory_space<vmem_shared>>
      tpu.wait_indirect_dma semaphore(%arg12 : memref<!tpu.dma_semaphore, #tpu.memory_space<semaphore_mem>>) src(%dma_wait3A_187 : memref<10000x64xf32, #tpu.memory_space<vmem_shared>>) dst(%dma_wait3A_181 : memref<128x64xf32, #tpu.memory_space<vmem>>)
      %run_scoped3A_188 = arith.constant 2 : i32
      "tpu.region"() ({
        %run_scoped3A_202 = tpu.sem_alloc : memref<!tpu.dma_semaphore, #tpu.memory_space<semaphore_mem>>
        %dma_start3A_203 = arith.constant 0 : i32
        %dma_start3A_204 = arith.constant 0 : i32
        %dma_start3A_205 = tpu.memref_slice %arg9[%run_scoped3A_188, %dma_start3A_203, %dma_start3A_204] : memref<3x128x64xf32, #tpu.memory_space<vmem>> -> memref<1x128x64xf32, #tpu.memory_space<vmem>>
        %dma_start3A_206 = tpu.memref_squeeze %dma_start3A_205 : memref<1x128x64xf32, #tpu.memory_space<vmem>> -> memref<128x64xf32, #tpu.memory_space<vmem>>
        %dma_start3A_207 = arith.constant 0 : i32
        %dma_start3A_208 = tpu.memref_slice %arg8[%add3A_176, %dma_start3A_207] : memref<80x128xi32, #tpu.memory_space<vmem>> -> memref<1x128xi32, #tpu.memory_space<vmem>>
        %dma_start3A_209 = tpu.memref_squeeze %dma_start3A_208 : memref<1x128xi32, #tpu.memory_space<vmem>> -> memref<128xi32, #tpu.memory_space<vmem>>
        %dma_start3A_210 = arith.constant 0 : i32
        %dma_start3A_211 = arith.constant 0 : i32
        %dma_start3A_212 = tpu.memref_slice %arg10[%dma_start3A_210, %dma_start3A_211] : memref<10240x64xf32, #tpu.memory_space<vmem_shared>> -> memref<10240x64xf32, #tpu.memory_space<vmem_shared>>
        tpu.enqueue_indirect_dma source(%dma_start3A_206 : memref<128x64xf32, #tpu.memory_space<vmem>>) target(%dma_start3A_212 : memref<10240x64xf32, #tpu.memory_space<vmem_shared>>) offsets(%dma_start3A_209 : memref<128xi32, #tpu.memory_space<vmem>>) semaphore(%run_scoped3A_202 : memref<!tpu.dma_semaphore, #tpu.memory_space<semaphore_mem>>) {add = true}
        %dma_wait3A_213 = arith.constant 0 : i32
        %dma_wait3A_214 = arith.constant 0 : i32
        %dma_wait3A_215 = tpu.memref_slice %arg9[%run_scoped3A_188, %dma_wait3A_213, %dma_wait3A_214] : memref<3x128x64xf32, #tpu.memory_space<vmem>> -> memref<1x128x64xf32, #tpu.memory_space<vmem>>
        %dma_wait3A_216 = tpu.memref_squeeze %dma_wait3A_215 : memref<1x128x64xf32, #tpu.memory_space<vmem>> -> memref<128x64xf32, #tpu.memory_space<vmem>>
        %dma_wait3A_217 = arith.constant 0 : i32
        %dma_wait3A_218 = tpu.memref_slice %arg8[%add3A_176, %dma_wait3A_217] : memref<80x128xi32, #tpu.memory_space<vmem>> -> memref<1x128xi32, #tpu.memory_space<vmem>>
        %dma_wait3A_219 = tpu.memref_squeeze %dma_wait3A_218 : memref<1x128xi32, #tpu.memory_space<vmem>> -> memref<128xi32, #tpu.memory_space<vmem>>
        %dma_wait3A_220 = arith.constant 0 : i32
        %dma_wait3A_221 = arith.constant 0 : i32
        %dma_wait3A_222 = tpu.memref_slice %arg10[%dma_wait3A_220, %dma_wait3A_221] : memref<10240x64xf32, #tpu.memory_space<vmem_shared>> -> memref<10240x64xf32, #tpu.memory_space<vmem_shared>>
        tpu.wait_indirect_dma semaphore(%run_scoped3A_202 : memref<!tpu.dma_semaphore, #tpu.memory_space<semaphore_mem>>) src(%dma_wait3A_216 : memref<128x64xf32, #tpu.memory_space<vmem>>) dst(%dma_wait3A_222 : memref<10240x64xf32, #tpu.memory_space<vmem_shared>>)
        tpu.yield
      }) : () -> ()
      %add3A_189 = arith.constant 3 : i32
      %add3A_190 = arith.addi %add3A_176, %add3A_189 : i32
      %dma_start3A_191 = arith.constant 2 : i32
      %dma_start3A_192 = arith.constant 0 : i32
      %dma_start3A_193 = arith.constant 0 : i32
      %dma_start3A_194 = tpu.memref_slice %arg9[%dma_start3A_191, %dma_start3A_192, %dma_start3A_193] : memref<3x128x64xf32, #tpu.memory_space<vmem>> -> memref<1x128x64xf32, #tpu.memory_space<vmem>>
      %dma_start3A_195 = tpu.memref_squeeze %dma_start3A_194 : memref<1x128x64xf32, #tpu.memory_space<vmem>> -> memref<128x64xf32, #tpu.memory_space<vmem>>
      %dma_start3A_196 = arith.constant 0 : i32
      %dma_start3A_197 = tpu.memref_slice %arg7[%add3A_190, %dma_start3A_196] : memref<83x128xi32, #tpu.memory_space<vmem>> -> memref<1x128xi32, #tpu.memory_space<vmem>>
      %dma_start3A_198 = tpu.memref_squeeze %dma_start3A_197 : memref<1x128xi32, #tpu.memory_space<vmem>> -> memref<128xi32, #tpu.memory_space<vmem>>
      %dma_start3A_199 = arith.constant 0 : i32
      %dma_start3A_200 = arith.constant 0 : i32
      %dma_start3A_201 = tpu.memref_slice %arg11[%dma_start3A_199, %dma_start3A_200] : memref<10000x64xf32, #tpu.memory_space<vmem_shared>> -> memref<10000x64xf32, #tpu.memory_space<vmem_shared>>
      tpu.enqueue_indirect_dma source(%dma_start3A_201 : memref<10000x64xf32, #tpu.memory_space<vmem_shared>>) target(%dma_start3A_195 : memref<128x64xf32, #tpu.memory_space<vmem>>) offsets(%dma_start3A_198 : memref<128xi32, #tpu.memory_space<vmem>>) semaphore(%arg12 : memref<!tpu.dma_semaphore, #tpu.memory_space<semaphore_mem>>)
    }
    %scan3A_69 = arith.constant 26 : i32
    %dma_wait3A = arith.constant 78 : i32
    %dma_wait3A_70 = arith.constant 0 : i32
    %dma_wait3A_71 = arith.constant 0 : i32
    %dma_wait3A_72 = arith.constant 0 : i32
    %dma_wait3A_73 = tpu.memref_slice %arg9[%dma_wait3A_70, %dma_wait3A_71, %dma_wait3A_72] : memref<3x128x64xf32, #tpu.memory_space<vmem>> -> memref<1x128x64xf32, #tpu.memory_space<vmem>>
    %dma_wait3A_74 = tpu.memref_squeeze %dma_wait3A_73 : memref<1x128x64xf32, #tpu.memory_space<vmem>> -> memref<128x64xf32, #tpu.memory_space<vmem>>
    %dma_wait3A_75 = arith.constant 0 : i32
    %dma_wait3A_76 = tpu.memref_slice %arg7[%dma_wait3A, %dma_wait3A_75] : memref<83x128xi32, #tpu.memory_space<vmem>> -> memref<1x128xi32, #tpu.memory_space<vmem>>
    %dma_wait3A_77 = tpu.memref_squeeze %dma_wait3A_76 : memref<1x128xi32, #tpu.memory_space<vmem>> -> memref<128xi32, #tpu.memory_space<vmem>>
    %dma_wait3A_78 = arith.constant 0 : i32
    %dma_wait3A_79 = arith.constant 0 : i32
    %dma_wait3A_80 = tpu.memref_slice %arg11[%dma_wait3A_78, %dma_wait3A_79] : memref<10000x64xf32, #tpu.memory_space<vmem_shared>> -> memref<10000x64xf32, #tpu.memory_space<vmem_shared>>
    tpu.wait_indirect_dma semaphore(%arg12 : memref<!tpu.dma_semaphore, #tpu.memory_space<semaphore_mem>>) src(%dma_wait3A_80 : memref<10000x64xf32, #tpu.memory_space<vmem_shared>>) dst(%dma_wait3A_74 : memref<128x64xf32, #tpu.memory_space<vmem>>)
    %run_scoped3A_81 = arith.constant 0 : i32
    %run_scoped3A_82 = arith.constant 78 : i32
    "tpu.region"() ({
      %run_scoped3A_114 = tpu.sem_alloc : memref<!tpu.dma_semaphore, #tpu.memory_space<semaphore_mem>>
      %dma_start3A_115 = arith.constant 0 : i32
      %dma_start3A_116 = arith.constant 0 : i32
      %dma_start3A_117 = tpu.memref_slice %arg9[%run_scoped3A_81, %dma_start3A_115, %dma_start3A_116] : memref<3x128x64xf32, #tpu.memory_space<vmem>> -> memref<1x128x64xf32, #tpu.memory_space<vmem>>
      %dma_start3A_118 = tpu.memref_squeeze %dma_start3A_117 : memref<1x128x64xf32, #tpu.memory_space<vmem>> -> memref<128x64xf32, #tpu.memory_space<vmem>>
      %dma_start3A_119 = arith.constant 0 : i32
      %dma_start3A_120 = tpu.memref_slice %arg8[%run_scoped3A_82, %dma_start3A_119] : memref<80x128xi32, #tpu.memory_space<vmem>> -> memref<1x128xi32, #tpu.memory_space<vmem>>
      %dma_start3A_121 = tpu.memref_squeeze %dma_start3A_120 : memref<1x128xi32, #tpu.memory_space<vmem>> -> memref<128xi32, #tpu.memory_space<vmem>>
      %dma_start3A_122 = arith.constant 0 : i32
      %dma_start3A_123 = arith.constant 0 : i32
      %dma_start3A_124 = tpu.memref_slice %arg10[%dma_start3A_122, %dma_start3A_123] : memref<10240x64xf32, #tpu.memory_space<vmem_shared>> -> memref<10240x64xf32, #tpu.memory_space<vmem_shared>>
      tpu.enqueue_indirect_dma source(%dma_start3A_118 : memref<128x64xf32, #tpu.memory_space<vmem>>) target(%dma_start3A_124 : memref<10240x64xf32, #tpu.memory_space<vmem_shared>>) offsets(%dma_start3A_121 : memref<128xi32, #tpu.memory_space<vmem>>) semaphore(%run_scoped3A_114 : memref<!tpu.dma_semaphore, #tpu.memory_space<semaphore_mem>>) {add = true}
      %dma_wait3A_125 = arith.constant 0 : i32
      %dma_wait3A_126 = arith.constant 0 : i32
      %dma_wait3A_127 = tpu.memref_slice %arg9[%run_scoped3A_81, %dma_wait3A_125, %dma_wait3A_126] : memref<3x128x64xf32, #tpu.memory_space<vmem>> -> memref<1x128x64xf32, #tpu.memory_space<vmem>>
      %dma_wait3A_128 = tpu.memref_squeeze %dma_wait3A_127 : memref<1x128x64xf32, #tpu.memory_space<vmem>> -> memref<128x64xf32, #tpu.memory_space<vmem>>
      %dma_wait3A_129 = arith.constant 0 : i32
      %dma_wait3A_130 = tpu.memref_slice %arg8[%run_scoped3A_82, %dma_wait3A_129] : memref<80x128xi32, #tpu.memory_space<vmem>> -> memref<1x128xi32, #tpu.memory_space<vmem>>
      %dma_wait3A_131 = tpu.memref_squeeze %dma_wait3A_130 : memref<1x128xi32, #tpu.memory_space<vmem>> -> memref<128xi32, #tpu.memory_space<vmem>>
      %dma_wait3A_132 = arith.constant 0 : i32
      %dma_wait3A_133 = arith.constant 0 : i32
      %dma_wait3A_134 = tpu.memref_slice %arg10[%dma_wait3A_132, %dma_wait3A_133] : memref<10240x64xf32, #tpu.memory_space<vmem_shared>> -> memref<10240x64xf32, #tpu.memory_space<vmem_shared>>
      tpu.wait_indirect_dma semaphore(%run_scoped3A_114 : memref<!tpu.dma_semaphore, #tpu.memory_space<semaphore_mem>>) src(%dma_wait3A_128 : memref<128x64xf32, #tpu.memory_space<vmem>>) dst(%dma_wait3A_134 : memref<10240x64xf32, #tpu.memory_space<vmem_shared>>)
      tpu.yield
    }) : () -> ()
    %dma_wait3A_83 = arith.constant 79 : i32
    %dma_wait3A_84 = arith.constant 1 : i32
    %dma_wait3A_85 = arith.constant 0 : i32
    %dma_wait3A_86 = arith.constant 0 : i32
    %dma_wait3A_87 = tpu.memref_slice %arg9[%dma_wait3A_84, %dma_wait3A_85, %dma_wait3A_86] : memref<3x128x64xf32, #tpu.memory_space<vmem>> -> memref<1x128x64xf32, #tpu.memory_space<vmem>>
    %dma_wait3A_88 = tpu.memref_squeeze %dma_wait3A_87 : memref<1x128x64xf32, #tpu.memory_space<vmem>> -> memref<128x64xf32, #tpu.memory_space<vmem>>
    %dma_wait3A_89 = arith.constant 0 : i32
    %dma_wait3A_90 = tpu.memref_slice %arg7[%dma_wait3A_83, %dma_wait3A_89] : memref<83x128xi32, #tpu.memory_space<vmem>> -> memref<1x128xi32, #tpu.memory_space<vmem>>
    %dma_wait3A_91 = tpu.memref_squeeze %dma_wait3A_90 : memref<1x128xi32, #tpu.memory_space<vmem>> -> memref<128xi32, #tpu.memory_space<vmem>>
    %dma_wait3A_92 = arith.constant 0 : i32
    %dma_wait3A_93 = arith.constant 0 : i32
    %dma_wait3A_94 = tpu.memref_slice %arg11[%dma_wait3A_92, %dma_wait3A_93] : memref<10000x64xf32, #tpu.memory_space<vmem_shared>> -> memref<10000x64xf32, #tpu.memory_space<vmem_shared>>
    tpu.wait_indirect_dma semaphore(%arg12 : memref<!tpu.dma_semaphore, #tpu.memory_space<semaphore_mem>>) src(%dma_wait3A_94 : memref<10000x64xf32, #tpu.memory_space<vmem_shared>>) dst(%dma_wait3A_88 : memref<128x64xf32, #tpu.memory_space<vmem>>)
    %run_scoped3A_95 = arith.constant 1 : i32
    %run_scoped3A_96 = arith.constant 79 : i32
    "tpu.region"() ({
      %run_scoped3A_114 = tpu.sem_alloc : memref<!tpu.dma_semaphore, #tpu.memory_space<semaphore_mem>>
      %dma_start3A_115 = arith.constant 0 : i32
      %dma_start3A_116 = arith.constant 0 : i32
      %dma_start3A_117 = tpu.memref_slice %arg9[%run_scoped3A_95, %dma_start3A_115, %dma_start3A_116] : memref<3x128x64xf32, #tpu.memory_space<vmem>> -> memref<1x128x64xf32, #tpu.memory_space<vmem>>
      %dma_start3A_118 = tpu.memref_squeeze %dma_start3A_117 : memref<1x128x64xf32, #tpu.memory_space<vmem>> -> memref<128x64xf32, #tpu.memory_space<vmem>>
      %dma_start3A_119 = arith.constant 0 : i32
      %dma_start3A_120 = tpu.memref_slice %arg8[%run_scoped3A_96, %dma_start3A_119] : memref<80x128xi32, #tpu.memory_space<vmem>> -> memref<1x128xi32, #tpu.memory_space<vmem>>
      %dma_start3A_121 = tpu.memref_squeeze %dma_start3A_120 : memref<1x128xi32, #tpu.memory_space<vmem>> -> memref<128xi32, #tpu.memory_space<vmem>>
      %dma_start3A_122 = arith.constant 0 : i32
      %dma_start3A_123 = arith.constant 0 : i32
      %dma_start3A_124 = tpu.memref_slice %arg10[%dma_start3A_122, %dma_start3A_123] : memref<10240x64xf32, #tpu.memory_space<vmem_shared>> -> memref<10240x64xf32, #tpu.memory_space<vmem_shared>>
      tpu.enqueue_indirect_dma source(%dma_start3A_118 : memref<128x64xf32, #tpu.memory_space<vmem>>) target(%dma_start3A_124 : memref<10240x64xf32, #tpu.memory_space<vmem_shared>>) offsets(%dma_start3A_121 : memref<128xi32, #tpu.memory_space<vmem>>) semaphore(%run_scoped3A_114 : memref<!tpu.dma_semaphore, #tpu.memory_space<semaphore_mem>>) {add = true}
      %dma_wait3A_125 = arith.constant 0 : i32
      %dma_wait3A_126 = arith.constant 0 : i32
      %dma_wait3A_127 = tpu.memref_slice %arg9[%run_scoped3A_95, %dma_wait3A_125, %dma_wait3A_126] : memref<3x128x64xf32, #tpu.memory_space<vmem>> -> memref<1x128x64xf32, #tpu.memory_space<vmem>>
      %dma_wait3A_128 = tpu.memref_squeeze %dma_wait3A_127 : memref<1x128x64xf32, #tpu.memory_space<vmem>> -> memref<128x64xf32, #tpu.memory_space<vmem>>
      %dma_wait3A_129 = arith.constant 0 : i32
      %dma_wait3A_130 = tpu.memref_slice %arg8[%run_scoped3A_96, %dma_wait3A_129] : memref<80x128xi32, #tpu.memory_space<vmem>> -> memref<1x128xi32, #tpu.memory_space<vmem>>
      %dma_wait3A_131 = tpu.memref_squeeze %dma_wait3A_130 : memref<1x128xi32, #tpu.memory_space<vmem>> -> memref<128xi32, #tpu.memory_space<vmem>>
      %dma_wait3A_132 = arith.constant 0 : i32
      %dma_wait3A_133 = arith.constant 0 : i32
      %dma_wait3A_134 = tpu.memref_slice %arg10[%dma_wait3A_132, %dma_wait3A_133] : memref<10240x64xf32, #tpu.memory_space<vmem_shared>> -> memref<10240x64xf32, #tpu.memory_space<vmem_shared>>
      tpu.wait_indirect_dma semaphore(%run_scoped3A_114 : memref<!tpu.dma_semaphore, #tpu.memory_space<semaphore_mem>>) src(%dma_wait3A_128 : memref<128x64xf32, #tpu.memory_space<vmem>>) dst(%dma_wait3A_134 : memref<10240x64xf32, #tpu.memory_space<vmem_shared>>)
      tpu.yield
    }) : () -> ()
    %dma_wait3A_97 = arith.constant 80 : i32
    %dma_wait3A_98 = arith.constant 2 : i32
    %dma_wait3A_99 = arith.constant 0 : i32
    %dma_wait3A_100 = arith.constant 0 : i32
    %dma_wait3A_101 = tpu.memref_slice %arg9[%dma_wait3A_98, %dma_wait3A_99, %dma_wait3A_100] : memref<3x128x64xf32, #tpu.memory_space<vmem>> -> memref<1x128x64xf32, #tpu.memory_space<vmem>>
    %dma_wait3A_102 = tpu.memref_squeeze %dma_wait3A_101 : memref<1x128x64xf32, #tpu.memory_space<vmem>> -> memref<128x64xf32, #tpu.memory_space<vmem>>
    %dma_wait3A_103 = arith.constant 0 : i32
    %dma_wait3A_104 = tpu.memref_slice %arg7[%dma_wait3A_97, %dma_wait3A_103] : memref<83x128xi32, #tpu.memory_space<vmem>> -> memref<1x128xi32, #tpu.memory_space<vmem>>
    %dma_wait3A_105 = tpu.memref_squeeze %dma_wait3A_104 : memref<1x128xi32, #tpu.memory_space<vmem>> -> memref<128xi32, #tpu.memory_space<vmem>>
    %dma_wait3A_106 = arith.constant 0 : i32
    %dma_wait3A_107 = arith.constant 0 : i32
    %dma_wait3A_108 = tpu.memref_slice %arg11[%dma_wait3A_106, %dma_wait3A_107] : memref<10000x64xf32, #tpu.memory_space<vmem_shared>> -> memref<10000x64xf32, #tpu.memory_space<vmem_shared>>
    tpu.wait_indirect_dma semaphore(%arg12 : memref<!tpu.dma_semaphore, #tpu.memory_space<semaphore_mem>>) src(%dma_wait3A_108 : memref<10000x64xf32, #tpu.memory_space<vmem_shared>>) dst(%dma_wait3A_102 : memref<128x64xf32, #tpu.memory_space<vmem>>)
    %barrier3A_109 = arith.constant 0 : index
    tpu.barrier barrier_id(%barrier3A_109)
    %mul3A_110 = arith.constant 640 : i32
    %mul3A_111 = arith.muli %arg1, %mul3A_110 : i32
    %mul3A_112 = arith.constant 640 : i32
    %mul3A_113 = arith.muli %arg1, %mul3A_112 : i32
    "tpu.region"() ({
      %run_scoped3A_114 = tpu.sem_alloc : memref<!tpu.dma_semaphore, #tpu.memory_space<semaphore_mem>>
      %dma_start3A_115 = arith.constant 0 : i32
      %dma_start3A_116 = tpu.memref_slice %arg6[%arg0, %mul3A_113, %dma_start3A_115] : memref<2x10240x64xf32, #tpu.memory_space<hbm>> -> memref<1x640x64xf32, #tpu.memory_space<hbm>>
      %dma_start3A_117 = tpu.memref_squeeze %dma_start3A_116 : memref<1x640x64xf32, #tpu.memory_space<hbm>> -> memref<640x64xf32, #tpu.memory_space<hbm>>
      %dma_start3A_118 = arith.constant 0 : i32
      %dma_start3A_119 = tpu.memref_slice %arg10[%mul3A_111, %dma_start3A_118] : memref<10240x64xf32, #tpu.memory_space<vmem_shared>> -> memref<640x64xf32, #tpu.memory_space<vmem_shared>>
      tpu.enqueue_dma source(%dma_start3A_119 : memref<640x64xf32, #tpu.memory_space<vmem_shared>>) target(%dma_start3A_117 : memref<640x64xf32, #tpu.memory_space<hbm>>) target_semaphore(%run_scoped3A_114 : memref<!tpu.dma_semaphore, #tpu.memory_space<semaphore_mem>>)
      %dma_wait3A_120 = arith.constant 0 : i32
      %dma_wait3A_121 = tpu.memref_slice %arg6[%arg0, %mul3A_113, %dma_wait3A_120] : memref<2x10240x64xf32, #tpu.memory_space<hbm>> -> memref<1x640x64xf32, #tpu.memory_space<hbm>>
      %dma_wait3A_122 = tpu.memref_squeeze %dma_wait3A_121 : memref<1x640x64xf32, #tpu.memory_space<hbm>> -> memref<640x64xf32, #tpu.memory_space<hbm>>
      %dma_wait3A_123 = arith.constant 0 : i32
      %dma_wait3A_124 = tpu.memref_slice %arg10[%mul3A_111, %dma_wait3A_123] : memref<10240x64xf32, #tpu.memory_space<vmem_shared>> -> memref<640x64xf32, #tpu.memory_space<vmem_shared>>
      tpu.wait_dma2 semaphore(%run_scoped3A_114 : memref<!tpu.dma_semaphore, #tpu.memory_space<semaphore_mem>>) src(%dma_wait3A_124 : memref<640x64xf32, #tpu.memory_space<vmem_shared>>) dst(%dma_wait3A_122 : memref<640x64xf32, #tpu.memory_space<hbm>>)
      tpu.yield
    }) : () -> ()
    return
  }
}

#map = affine_map<(d0, d1) -> (0)>
#map1 = affine_map<(d0, d1) -> (0, 0)>
module attributes {stable_mosaic.version = 14 : i64} {
  func.func @_sc_scatter_scalar(%arg0: i32, %arg1: i32, %arg2: memref<320000xi32, #tpu.memory_space<hbm>>, %arg3: memref<320000xi32, #tpu.memory_space<hbm>>, %arg4: memref<10000xf32, #tpu.memory_space<hbm>>, %arg5: memref<32x10000xf32, #tpu.memory_space<hbm>>, %arg6: memref<10000xi32, #tpu.memory_space<vmem>>, %arg7: memref<10000xi32, #tpu.memory_space<vmem>>, %arg8: memref<10000xf32, #tpu.memory_space<vmem>>, %arg9: memref<10000xf32, #tpu.memory_space<vmem>>) attributes {dimension_semantics = [#tpu.dimension_semantics<core_parallel>, #tpu.dimension_semantics<subcore_parallel>], iteration_bounds = array<i64: 2, 16>, scalar_prefetch = 0 : i64, scratch_operands = 4 : i64, tpu.core_type = #tpu.core_type<sc_vector_subcore>, window_params = [{transform_indices = #map}, {transform_indices = #map}, {transform_indices = #map}, {transform_indices = #map1}]} {
    %mul3A = arith.constant 2 : i32
    %mul3A_0 = arith.muli %arg1, %mul3A : i32
    %add3A = arith.addi %mul3A_0, %arg0 : i32
    %mul3A_1 = arith.constant 10000 : i32
    %mul3A_2 = arith.muli %add3A, %mul3A_1 : i32
    "tpu.region"() ({
      %run_scoped3A = tpu.sem_alloc : memref<!tpu.dma_semaphore, #tpu.memory_space<semaphore_mem>>
      %dma_start3A = tpu.memref_slice %arg2[%mul3A_2] : memref<320000xi32, #tpu.memory_space<hbm>> -> memref<10000xi32, #tpu.memory_space<hbm>>
      %dma_start3A_26 = tpu.memref_slice %arg2[%mul3A_2] : memref<320000xi32, #tpu.memory_space<hbm>> -> memref<10000xi32, #tpu.memory_space<hbm>>
      tpu.enqueue_dma source(%dma_start3A_26 : memref<10000xi32, #tpu.memory_space<hbm>>) target(%arg6 : memref<10000xi32, #tpu.memory_space<vmem>>) target_semaphore(%run_scoped3A : memref<!tpu.dma_semaphore, #tpu.memory_space<semaphore_mem>>)
      %dma_wait3A = tpu.memref_slice %arg2[%mul3A_2] : memref<320000xi32, #tpu.memory_space<hbm>> -> memref<10000xi32, #tpu.memory_space<hbm>>
      %dma_wait3A_27 = tpu.memref_slice %arg2[%mul3A_2] : memref<320000xi32, #tpu.memory_space<hbm>> -> memref<10000xi32, #tpu.memory_space<hbm>>
      tpu.wait_dma2 semaphore(%run_scoped3A : memref<!tpu.dma_semaphore, #tpu.memory_space<semaphore_mem>>) src(%dma_wait3A_27 : memref<10000xi32, #tpu.memory_space<hbm>>) dst(%arg6 : memref<10000xi32, #tpu.memory_space<vmem>>)
      tpu.yield
    }) : () -> ()
    %mul3A_3 = arith.constant 10000 : i32
    %mul3A_4 = arith.muli %add3A, %mul3A_3 : i32
    "tpu.region"() ({
      %run_scoped3A = tpu.sem_alloc : memref<!tpu.dma_semaphore, #tpu.memory_space<semaphore_mem>>
      %dma_start3A = tpu.memref_slice %arg3[%mul3A_4] : memref<320000xi32, #tpu.memory_space<hbm>> -> memref<10000xi32, #tpu.memory_space<hbm>>
      %dma_start3A_26 = tpu.memref_slice %arg3[%mul3A_4] : memref<320000xi32, #tpu.memory_space<hbm>> -> memref<10000xi32, #tpu.memory_space<hbm>>
      tpu.enqueue_dma source(%dma_start3A_26 : memref<10000xi32, #tpu.memory_space<hbm>>) target(%arg7 : memref<10000xi32, #tpu.memory_space<vmem>>) target_semaphore(%run_scoped3A : memref<!tpu.dma_semaphore, #tpu.memory_space<semaphore_mem>>)
      %dma_wait3A = tpu.memref_slice %arg3[%mul3A_4] : memref<320000xi32, #tpu.memory_space<hbm>> -> memref<10000xi32, #tpu.memory_space<hbm>>
      %dma_wait3A_27 = tpu.memref_slice %arg3[%mul3A_4] : memref<320000xi32, #tpu.memory_space<hbm>> -> memref<10000xi32, #tpu.memory_space<hbm>>
      tpu.wait_dma2 semaphore(%run_scoped3A : memref<!tpu.dma_semaphore, #tpu.memory_space<semaphore_mem>>) src(%dma_wait3A_27 : memref<10000xi32, #tpu.memory_space<hbm>>) dst(%arg7 : memref<10000xi32, #tpu.memory_space<vmem>>)
      tpu.yield
    }) : () -> ()
    "tpu.region"() ({
      %run_scoped3A = tpu.sem_alloc : memref<!tpu.dma_semaphore, #tpu.memory_space<semaphore_mem>>
      tpu.enqueue_dma source(%arg4 : memref<10000xf32, #tpu.memory_space<hbm>>) target(%arg8 : memref<10000xf32, #tpu.memory_space<vmem>>) target_semaphore(%run_scoped3A : memref<!tpu.dma_semaphore, #tpu.memory_space<semaphore_mem>>)
      tpu.wait_dma2 semaphore(%run_scoped3A : memref<!tpu.dma_semaphore, #tpu.memory_space<semaphore_mem>>) src(%arg4 : memref<10000xf32, #tpu.memory_space<hbm>>) dst(%arg8 : memref<10000xf32, #tpu.memory_space<vmem>>)
      tpu.yield
    }) : () -> ()
    %broadcast_in_dim3A = arith.constant 0.000000e+00 : f32
    %broadcast_in_dim3A_5 = vector.broadcast %broadcast_in_dim3A : f32 to vector<16xf32>
    %scan3A = arith.constant 0 : i32
    %scan3A_6 = arith.constant 0 : i32
    %scan3A_7 = arith.constant 625 : i32
    %scan3A_8 = arith.addi %scan3A_6, %scan3A_7 : i32
    %scan3A_9 = arith.constant 1 : i32
    scf.for %scan3A_26 = %scan3A_6 to %scan3A_8 step %scan3A_9  : i32 {
      %mul3A_27 = arith.constant 16 : i32
      %mul3A_28 = arith.muli %scan3A_26, %mul3A_27 : i32
      %swap3A = arith.index_cast %mul3A_28 : i32 to index
      %swap3A_29 = tpu.vector_load %arg9[%swap3A] {strides = array<i32>} : memref<10000xf32, #tpu.memory_space<vmem>>, vector<16xf32>,
      tpu.vector_store %arg9[%swap3A], %broadcast_in_dim3A_5 {strides = array<i32>} : memref<10000xf32, #tpu.memory_space<vmem>>, vector<16xf32>,
    }
    %scan3A_10 = arith.constant 625 : i32
    %scan3A_11 = arith.constant 0 : i32
    %scan3A_12 = arith.constant 0 : i32
    %scan3A_13 = arith.constant 624 : i32
    %scan3A_14 = arith.addi %scan3A_12, %scan3A_13 : i32
    %scan3A_15 = arith.constant 8 : i32
    scf.for %scan3A_26 = %scan3A_12 to %scan3A_14 step %scan3A_15  : i32 {
      %mul3A_27 = arith.constant 16 : i32
      %mul3A_28 = arith.muli %scan3A_26, %mul3A_27 : i32
      %get3A_29 = arith.index_cast %mul3A_28 : i32 to index
      %get3A_30 = tpu.vector_load %arg6[%get3A_29] {strides = array<i32>} : memref<10000xi32, #tpu.memory_space<vmem>>, vector<16xi32>,
      %mul3A_31 = arith.constant 16 : i32
      %mul3A_32 = arith.muli %scan3A_26, %mul3A_31 : i32
      %get3A_33 = arith.index_cast %mul3A_32 : i32 to index
      %get3A_34 = tpu.vector_load %arg7[%get3A_33] {strides = array<i32>} : memref<10000xi32, #tpu.memory_space<vmem>>, vector<16xi32>,
      %gather3A_35 = tpu.vector_load_idx %arg8[%get3A_30] : memref<10000xf32, #tpu.memory_space<vmem>>[vector<16xi32>], vector<16xf32>,
      tpu.vector_store_idx %arg9[%get3A_34], %gather3A_35 {add = true} : memref<10000xf32, #tpu.memory_space<vmem>>[vector<16xi32>], vector<16xf32>,
      %scan3A_36 = arith.constant 1 : i32
      %scan3A_37 = arith.addi %scan3A_26, %scan3A_36 : i32
      %mul3A_38 = arith.constant 16 : i32
      %mul3A_39 = arith.muli %scan3A_37, %mul3A_38 : i32
      %get3A_40 = arith.index_cast %mul3A_39 : i32 to index
      %get3A_41 = tpu.vector_load %arg6[%get3A_40] {strides = array<i32>} : memref<10000xi32, #tpu.memory_space<vmem>>, vector<16xi32>,
      %mul3A_42 = arith.constant 16 : i32
      %mul3A_43 = arith.muli %scan3A_37, %mul3A_42 : i32
      %get3A_44 = arith.index_cast %mul3A_43 : i32 to index
      %get3A_45 = tpu.vector_load %arg7[%get3A_44] {strides = array<i32>} : memref<10000xi32, #tpu.memory_space<vmem>>, vector<16xi32>,
      %gather3A_46 = tpu.vector_load_idx %arg8[%get3A_41] : memref<10000xf32, #tpu.memory_space<vmem>>[vector<16xi32>], vector<16xf32>,
      tpu.vector_store_idx %arg9[%get3A_45], %gather3A_46 {add = true} : memref<10000xf32, #tpu.memory_space<vmem>>[vector<16xi32>], vector<16xf32>,
      %scan3A_47 = arith.constant 2 : i32
      %scan3A_48 = arith.addi %scan3A_26, %scan3A_47 : i32
      %mul3A_49 = arith.constant 16 : i32
      %mul3A_50 = arith.muli %scan3A_48, %mul3A_49 : i32
      %get3A_51 = arith.index_cast %mul3A_50 : i32 to index
      %get3A_52 = tpu.vector_load %arg6[%get3A_51] {strides = array<i32>} : memref<10000xi32, #tpu.memory_space<vmem>>, vector<16xi32>,
      %mul3A_53 = arith.constant 16 : i32
      %mul3A_54 = arith.muli %scan3A_48, %mul3A_53 : i32
      %get3A_55 = arith.index_cast %mul3A_54 : i32 to index
      %get3A_56 = tpu.vector_load %arg7[%get3A_55] {strides = array<i32>} : memref<10000xi32, #tpu.memory_space<vmem>>, vector<16xi32>,
      %gather3A_57 = tpu.vector_load_idx %arg8[%get3A_52] : memref<10000xf32, #tpu.memory_space<vmem>>[vector<16xi32>], vector<16xf32>,
      tpu.vector_store_idx %arg9[%get3A_56], %gather3A_57 {add = true} : memref<10000xf32, #tpu.memory_space<vmem>>[vector<16xi32>], vector<16xf32>,
      %scan3A_58 = arith.constant 3 : i32
      %scan3A_59 = arith.addi %scan3A_26, %scan3A_58 : i32
      %mul3A_60 = arith.constant 16 : i32
      %mul3A_61 = arith.muli %scan3A_59, %mul3A_60 : i32
      %get3A_62 = arith.index_cast %mul3A_61 : i32 to index
      %get3A_63 = tpu.vector_load %arg6[%get3A_62] {strides = array<i32>} : memref<10000xi32, #tpu.memory_space<vmem>>, vector<16xi32>,
      %mul3A_64 = arith.constant 16 : i32
      %mul3A_65 = arith.muli %scan3A_59, %mul3A_64 : i32
      %get3A_66 = arith.index_cast %mul3A_65 : i32 to index
      %get3A_67 = tpu.vector_load %arg7[%get3A_66] {strides = array<i32>} : memref<10000xi32, #tpu.memory_space<vmem>>, vector<16xi32>,
      %gather3A_68 = tpu.vector_load_idx %arg8[%get3A_63] : memref<10000xf32, #tpu.memory_space<vmem>>[vector<16xi32>], vector<16xf32>,
      tpu.vector_store_idx %arg9[%get3A_67], %gather3A_68 {add = true} : memref<10000xf32, #tpu.memory_space<vmem>>[vector<16xi32>], vector<16xf32>,
      %scan3A_69 = arith.constant 4 : i32
      %scan3A_70 = arith.addi %scan3A_26, %scan3A_69 : i32
      %mul3A_71 = arith.constant 16 : i32
      %mul3A_72 = arith.muli %scan3A_70, %mul3A_71 : i32
      %get3A_73 = arith.index_cast %mul3A_72 : i32 to index
      %get3A_74 = tpu.vector_load %arg6[%get3A_73] {strides = array<i32>} : memref<10000xi32, #tpu.memory_space<vmem>>, vector<16xi32>,
      %mul3A_75 = arith.constant 16 : i32
      %mul3A_76 = arith.muli %scan3A_70, %mul3A_75 : i32
      %get3A_77 = arith.index_cast %mul3A_76 : i32 to index
      %get3A_78 = tpu.vector_load %arg7[%get3A_77] {strides = array<i32>} : memref<10000xi32, #tpu.memory_space<vmem>>, vector<16xi32>,
      %gather3A_79 = tpu.vector_load_idx %arg8[%get3A_74] : memref<10000xf32, #tpu.memory_space<vmem>>[vector<16xi32>], vector<16xf32>,
      tpu.vector_store_idx %arg9[%get3A_78], %gather3A_79 {add = true} : memref<10000xf32, #tpu.memory_space<vmem>>[vector<16xi32>], vector<16xf32>,
      %scan3A_80 = arith.constant 5 : i32
      %scan3A_81 = arith.addi %scan3A_26, %scan3A_80 : i32
      %mul3A_82 = arith.constant 16 : i32
      %mul3A_83 = arith.muli %scan3A_81, %mul3A_82 : i32
      %get3A_84 = arith.index_cast %mul3A_83 : i32 to index
      %get3A_85 = tpu.vector_load %arg6[%get3A_84] {strides = array<i32>} : memref<10000xi32, #tpu.memory_space<vmem>>, vector<16xi32>,
      %mul3A_86 = arith.constant 16 : i32
      %mul3A_87 = arith.muli %scan3A_81, %mul3A_86 : i32
      %get3A_88 = arith.index_cast %mul3A_87 : i32 to index
      %get3A_89 = tpu.vector_load %arg7[%get3A_88] {strides = array<i32>} : memref<10000xi32, #tpu.memory_space<vmem>>, vector<16xi32>,
      %gather3A_90 = tpu.vector_load_idx %arg8[%get3A_85] : memref<10000xf32, #tpu.memory_space<vmem>>[vector<16xi32>], vector<16xf32>,
      tpu.vector_store_idx %arg9[%get3A_89], %gather3A_90 {add = true} : memref<10000xf32, #tpu.memory_space<vmem>>[vector<16xi32>], vector<16xf32>,
      %scan3A_91 = arith.constant 6 : i32
      %scan3A_92 = arith.addi %scan3A_26, %scan3A_91 : i32
      %mul3A_93 = arith.constant 16 : i32
      %mul3A_94 = arith.muli %scan3A_92, %mul3A_93 : i32
      %get3A_95 = arith.index_cast %mul3A_94 : i32 to index
      %get3A_96 = tpu.vector_load %arg6[%get3A_95] {strides = array<i32>} : memref<10000xi32, #tpu.memory_space<vmem>>, vector<16xi32>,
      %mul3A_97 = arith.constant 16 : i32
      %mul3A_98 = arith.muli %scan3A_92, %mul3A_97 : i32
      %get3A_99 = arith.index_cast %mul3A_98 : i32 to index
      %get3A_100 = tpu.vector_load %arg7[%get3A_99] {strides = array<i32>} : memref<10000xi32, #tpu.memory_space<vmem>>, vector<16xi32>,
      %gather3A_101 = tpu.vector_load_idx %arg8[%get3A_96] : memref<10000xf32, #tpu.memory_space<vmem>>[vector<16xi32>], vector<16xf32>,
      tpu.vector_store_idx %arg9[%get3A_100], %gather3A_101 {add = true} : memref<10000xf32, #tpu.memory_space<vmem>>[vector<16xi32>], vector<16xf32>,
      %scan3A_102 = arith.constant 7 : i32
      %scan3A_103 = arith.addi %scan3A_26, %scan3A_102 : i32
      %mul3A_104 = arith.constant 16 : i32
      %mul3A_105 = arith.muli %scan3A_103, %mul3A_104 : i32
      %get3A_106 = arith.index_cast %mul3A_105 : i32 to index
      %get3A_107 = tpu.vector_load %arg6[%get3A_106] {strides = array<i32>} : memref<10000xi32, #tpu.memory_space<vmem>>, vector<16xi32>,
      %mul3A_108 = arith.constant 16 : i32
      %mul3A_109 = arith.muli %scan3A_103, %mul3A_108 : i32
      %get3A_110 = arith.index_cast %mul3A_109 : i32 to index
      %get3A_111 = tpu.vector_load %arg7[%get3A_110] {strides = array<i32>} : memref<10000xi32, #tpu.memory_space<vmem>>, vector<16xi32>,
      %gather3A_112 = tpu.vector_load_idx %arg8[%get3A_107] : memref<10000xf32, #tpu.memory_space<vmem>>[vector<16xi32>], vector<16xf32>,
      tpu.vector_store_idx %arg9[%get3A_111], %gather3A_112 {add = true} : memref<10000xf32, #tpu.memory_space<vmem>>[vector<16xi32>], vector<16xf32>,
    }
    %scan3A_16 = arith.constant 624 : i32
    %scan3A_17 = arith.addi %scan3A_12, %scan3A_16 : i32
    %mul3A_18 = arith.constant 16 : i32
    %mul3A_19 = arith.muli %scan3A_17, %mul3A_18 : i32
    %get3A = arith.index_cast %mul3A_19 : i32 to index
    %get3A_20 = tpu.vector_load %arg6[%get3A] {strides = array<i32>} : memref<10000xi32, #tpu.memory_space<vmem>>, vector<16xi32>,
    %mul3A_21 = arith.constant 16 : i32
    %mul3A_22 = arith.muli %scan3A_17, %mul3A_21 : i32
    %get3A_23 = arith.index_cast %mul3A_22 : i32 to index
    %get3A_24 = tpu.vector_load %arg7[%get3A_23] {strides = array<i32>} : memref<10000xi32, #tpu.memory_space<vmem>>, vector<16xi32>,
    %gather3A = tpu.vector_load_idx %arg8[%get3A_20] : memref<10000xf32, #tpu.memory_space<vmem>>[vector<16xi32>], vector<16xf32>,
    tpu.vector_store_idx %arg9[%get3A_24], %gather3A {add = true} : memref<10000xf32, #tpu.memory_space<vmem>>[vector<16xi32>], vector<16xf32>,
    %scan3A_25 = arith.constant 625 : i32
    "tpu.region"() ({
      %run_scoped3A = tpu.sem_alloc : memref<!tpu.dma_semaphore, #tpu.memory_space<semaphore_mem>>
      %dma_start3A = arith.constant 0 : i32
      %dma_start3A_26 = tpu.memref_slice %arg5[%add3A, %dma_start3A] : memref<32x10000xf32, #tpu.memory_space<hbm>> -> memref<1x10000xf32, #tpu.memory_space<hbm>>
      %dma_start3A_27 = tpu.memref_squeeze %dma_start3A_26 : memref<1x10000xf32, #tpu.memory_space<hbm>> -> memref<10000xf32, #tpu.memory_space<hbm>>
      %dma_start3A_28 = arith.constant 0 : i32
      %dma_start3A_29 = tpu.memref_slice %arg5[%add3A, %dma_start3A_28] : memref<32x10000xf32, #tpu.memory_space<hbm>> -> memref<1x10000xf32, #tpu.memory_space<hbm>>
      %dma_start3A_30 = tpu.memref_squeeze %dma_start3A_29 : memref<1x10000xf32, #tpu.memory_space<hbm>> -> memref<10000xf32, #tpu.memory_space<hbm>>
      tpu.enqueue_dma source(%arg9 : memref<10000xf32, #tpu.memory_space<vmem>>) target(%dma_start3A_30 : memref<10000xf32, #tpu.memory_space<hbm>>) target_semaphore(%run_scoped3A : memref<!tpu.dma_semaphore, #tpu.memory_space<semaphore_mem>>)
      %dma_wait3A = arith.constant 0 : i32
      %dma_wait3A_31 = tpu.memref_slice %arg5[%add3A, %dma_wait3A] : memref<32x10000xf32, #tpu.memory_space<hbm>> -> memref<1x10000xf32, #tpu.memory_space<hbm>>
      %dma_wait3A_32 = tpu.memref_squeeze %dma_wait3A_31 : memref<1x10000xf32, #tpu.memory_space<hbm>> -> memref<10000xf32, #tpu.memory_space<hbm>>
      %dma_wait3A_33 = arith.constant 0 : i32
      %dma_wait3A_34 = tpu.memref_slice %arg5[%add3A, %dma_wait3A_33] : memref<32x10000xf32, #tpu.memory_space<hbm>> -> memref<1x10000xf32, #tpu.memory_space<hbm>>
      %dma_wait3A_35 = tpu.memref_squeeze %dma_wait3A_34 : memref<1x10000xf32, #tpu.memory_space<hbm>> -> memref<10000xf32, #tpu.memory_space<hbm>>
      tpu.wait_dma2 semaphore(%run_scoped3A : memref<!tpu.dma_semaphore, #tpu.memory_space<semaphore_mem>>) src(%arg9 : memref<10000xf32, #tpu.memory_space<vmem>>) dst(%dma_wait3A_35 : memref<10000xf32, #tpu.memory_space<hbm>>)
      tpu.yield
    }) : () -> ()
    return
  }
}

module attributes {stable_mosaic.version = 14 : i64} {
  func.func @_tc_scale_body(%arg0: memref<32x10000xf32, #tpu.memory_space<vmem>>, %arg1: memref<10000x128xf32, #tpu.memory_space<vmem>>, %arg2: memref<128x64xf32, #tpu.memory_space<vmem>>, %arg3: memref<10000x64xf32, #tpu.memory_space<vmem>>, %arg4: memref<10000x1xf32, #tpu.memory_space<vmem>>, %arg5: memref<1x10000xf32, #tpu.memory_space<vmem>>) attributes {dimension_semantics = [], scalar_prefetch = 0 : i64, scratch_operands = 0 : i64, tpu.core_type = #tpu.core_type<tc>} {
    %get3A = arith.constant 0 : index
    %get3A_0 = arith.constant 0 : index
    %get3A_1 = vector.load %arg0[%get3A, %get3A_0] : memref<32x10000xf32, #tpu.memory_space<vmem>>, vector<32x10000xf32>
    %reduce_sum3A = arith.constant dense<0.000000e+00> : vector<10000xf32>
    %reduce_sum3A_2 = vector.multi_reduction <add>, %get3A_1, %reduce_sum3A [0] : vector<32x10000xf32> to vector<10000xf32>
    %broadcast_in_dim3A = vector.shape_cast %reduce_sum3A_2 : vector<10000xf32> to vector<1x10000xf32>
    %add3A = arith.constant 1.000000e+00 : f32
    %add3A_3 = vector.broadcast %add3A : f32 to vector<1x10000xf32>
    %add3A_4 = arith.addf %add3A_3, %broadcast_in_dim3A : vector<1x10000xf32>
    %rsqrt3A = math.rsqrt %add3A_4 : vector<1x10000xf32>
    %swap3A = arith.constant 0 : index
    %swap3A_5 = arith.constant 0 : index
    %swap3A_6 = vector.load %arg5[%swap3A, %swap3A_5] : memref<1x10000xf32, #tpu.memory_space<vmem>>, vector<1x10000xf32>
    tpu.vector_store %arg5[%swap3A, %swap3A_5], %rsqrt3A {strides = array<i32>} : memref<1x10000xf32, #tpu.memory_space<vmem>>, vector<1x10000xf32>,
    %transpose3A = tpu.transpose %rsqrt3A, [1, 0] : vector<1x10000xf32> -> vector<10000x1xf32>
    %swap3A_7 = arith.constant 0 : index
    %swap3A_8 = arith.constant 0 : index
    %swap3A_9 = vector.load %arg4[%swap3A_7, %swap3A_8] : memref<10000x1xf32, #tpu.memory_space<vmem>>, vector<10000x1xf32>
    tpu.vector_store %arg4[%swap3A_7, %swap3A_8], %transpose3A {strides = array<i32>} : memref<10000x1xf32, #tpu.memory_space<vmem>>, vector<10000x1xf32>,
    %get3A_10 = arith.constant 0 : index
    %get3A_11 = arith.constant 0 : index
    %get3A_12 = vector.load %arg1[%get3A_10, %get3A_11] : memref<10000x128xf32, #tpu.memory_space<vmem>>, vector<10000x128xf32>
    %get3A_13 = arith.constant 0 : index
    %get3A_14 = arith.constant 0 : index
    %get3A_15 = vector.load %arg2[%get3A_13, %get3A_14] : memref<128x64xf32, #tpu.memory_space<vmem>>, vector<128x64xf32>
    %dot_general3A = arith.constant dense<0.000000e+00> : vector<10000x64xf32>
    %dot_general3A_16 = tpu.matmul %get3A_12, %get3A_15, %dot_general3A {dimension_numbers = #tpu.dot_dimension_numbers<[1], [0], [0], [1], [0, 0, 1, 1], [], []>, transpose_lhs_hint = false} : vector<10000x128xf32>, vector<128x64xf32>, vector<10000x64xf32> -> vector<10000x64xf32>
    %mul3A = vector.broadcast %transpose3A : vector<10000x1xf32> to vector<10000x64xf32>
    %mul3A_17 = arith.mulf %dot_general3A_16, %mul3A : vector<10000x64xf32>
    %swap3A_18 = arith.constant 0 : index
    %swap3A_19 = arith.constant 0 : index
    %swap3A_20 = vector.load %arg3[%swap3A_18, %swap3A_19] : memref<10000x64xf32, #tpu.memory_space<vmem>>, vector<10000x64xf32>
    tpu.vector_store %arg3[%swap3A_18, %swap3A_19], %mul3A_17 {strides = array<i32>} : memref<10000x64xf32, #tpu.memory_space<vmem>>, vector<10000x64xf32>,
    return
  }
}

module attributes {stable_mosaic.version = 14 : i64} {
  func.func @_tc_layer2_body(%arg0: memref<2x10240x64xf32, #tpu.memory_space<vmem>>, %arg1: memref<10000x64xf32, #tpu.memory_space<vmem>>, %arg2: memref<10000x1xf32, #tpu.memory_space<vmem>>, %arg3: memref<64x1xf32, #tpu.memory_space<vmem>>, %arg4: memref<1x64xf32, #tpu.memory_space<vmem>>, %arg5: memref<10000x1xf32, #tpu.memory_space<vmem>>) attributes {dimension_semantics = [], scalar_prefetch = 0 : i64, scratch_operands = 0 : i64, tpu.core_type = #tpu.core_type<tc>} {
    %get3A = arith.constant 0 : index
    %get3A_0 = arith.constant 0 : index
    %get3A_1 = arith.constant 0 : index
    %get3A_2 = vector.load %arg0[%get3A, %get3A_0, %get3A_1] : memref<2x10240x64xf32, #tpu.memory_space<vmem>>, vector<1x10000x64xf32>
    %get3A_3 = vector.shape_cast %get3A_2 : vector<1x10000x64xf32> to vector<10000x64xf32>
    %get3A_4 = arith.constant 1 : index
    %get3A_5 = arith.constant 0 : index
    %get3A_6 = arith.constant 0 : index
    %get3A_7 = vector.load %arg0[%get3A_4, %get3A_5, %get3A_6] : memref<2x10240x64xf32, #tpu.memory_space<vmem>>, vector<1x10000x64xf32>
    %get3A_8 = vector.shape_cast %get3A_7 : vector<1x10000x64xf32> to vector<10000x64xf32>
    %add3A = arith.addf %get3A_3, %get3A_8 : vector<10000x64xf32>
    %get3A_9 = arith.constant 0 : index
    %get3A_10 = arith.constant 0 : index
    %get3A_11 = vector.load %arg1[%get3A_9, %get3A_10] : memref<10000x64xf32, #tpu.memory_space<vmem>>, vector<10000x64xf32>
    %add3A_12 = arith.addf %add3A, %get3A_11 : vector<10000x64xf32>
    %get3A_13 = arith.constant 0 : index
    %get3A_14 = arith.constant 0 : index
    %get3A_15 = vector.load %arg2[%get3A_13, %get3A_14] : memref<10000x1xf32, #tpu.memory_space<vmem>>, vector<10000x1xf32>
    %mul3A = vector.broadcast %get3A_15 : vector<10000x1xf32> to vector<10000x64xf32>
    %mul3A_16 = arith.mulf %add3A_12, %mul3A : vector<10000x64xf32>
    %get3A_17 = arith.constant 0 : index
    %get3A_18 = arith.constant 0 : index
    %get3A_19 = vector.load %arg4[%get3A_17, %get3A_18] : memref<1x64xf32, #tpu.memory_space<vmem>>, vector<1x64xf32>
    %add3A_20 = vector.broadcast %get3A_19 : vector<1x64xf32> to vector<10000x64xf32>
    %add3A_21 = arith.addf %mul3A_16, %add3A_20 : vector<10000x64xf32>
    %max3A = arith.constant 0.000000e+00 : f32
    %max3A_22 = vector.broadcast %max3A : f32 to vector<10000x64xf32>
    %max3A_23 = arith.maximumf %add3A_21, %max3A_22 : vector<10000x64xf32>
    %get3A_24 = arith.constant 0 : index
    %get3A_25 = arith.constant 0 : index
    %get3A_26 = vector.load %arg3[%get3A_24, %get3A_25] : memref<64x1xf32, #tpu.memory_space<vmem>>, vector<64x1xf32>
    %dot_general3A = arith.constant dense<0.000000e+00> : vector<10000x1xf32>
    %dot_general3A_27 = tpu.matmul %max3A_23, %get3A_26, %dot_general3A {dimension_numbers = #tpu.dot_dimension_numbers<[1], [0], [0], [1], [0, 0, 1, 1], [], []>, transpose_lhs_hint = false} : vector<10000x64xf32>, vector<64x1xf32>, vector<10000x1xf32> -> vector<10000x1xf32>
    %get3A_28 = arith.constant 0 : index
    %get3A_29 = arith.constant 0 : index
    %get3A_30 = vector.load %arg2[%get3A_28, %get3A_29] : memref<10000x1xf32, #tpu.memory_space<vmem>>, vector<10000x1xf32>
    %mul3A_31 = arith.mulf %dot_general3A_27, %get3A_30 : vector<10000x1xf32>
    %swap3A = arith.constant 0 : index
    %swap3A_32 = arith.constant 0 : index
    %swap3A_33 = vector.load %arg5[%swap3A, %swap3A_32] : memref<10000x1xf32, #tpu.memory_space<vmem>>, vector<10000x1xf32>
    tpu.vector_store %arg5[%swap3A, %swap3A_32], %mul3A_31 {strides = array<i32>} : memref<10000x1xf32, #tpu.memory_space<vmem>>, vector<10000x1xf32>,
    return
  }
}

module attributes {stable_mosaic.version = 14 : i64} {
  func.func @_tc_final_body(%arg0: memref<32x10000xf32, #tpu.memory_space<vmem>>, %arg1: memref<1x10000xf32, #tpu.memory_space<vmem>>, %arg2: memref<1x10000xf32, #tpu.memory_space<vmem>>, %arg3: memref<1x1xf32, #tpu.memory_space<vmem>>, %arg4: memref<1x10000xf32, #tpu.memory_space<vmem>>) attributes {dimension_semantics = [], scalar_prefetch = 0 : i64, scratch_operands = 0 : i64, tpu.core_type = #tpu.core_type<tc>} {
    %get3A = arith.constant 0 : index
    %get3A_0 = arith.constant 0 : index
    %get3A_1 = vector.load %arg0[%get3A, %get3A_0] : memref<32x10000xf32, #tpu.memory_space<vmem>>, vector<32x10000xf32>
    %reduce_sum3A = arith.constant dense<0.000000e+00> : vector<10000xf32>
    %reduce_sum3A_2 = vector.multi_reduction <add>, %get3A_1, %reduce_sum3A [0] : vector<32x10000xf32> to vector<10000xf32>
    %broadcast_in_dim3A = vector.shape_cast %reduce_sum3A_2 : vector<10000xf32> to vector<1x10000xf32>
    %get3A_3 = arith.constant 0 : index
    %get3A_4 = arith.constant 0 : index
    %get3A_5 = vector.load %arg2[%get3A_3, %get3A_4] : memref<1x10000xf32, #tpu.memory_space<vmem>>, vector<1x10000xf32>
    %get3A_6 = arith.constant 0 : index
    %get3A_7 = arith.constant 0 : index
    %get3A_8 = vector.load %arg1[%get3A_6, %get3A_7] : memref<1x10000xf32, #tpu.memory_space<vmem>>, vector<1x10000xf32>
    %add3A = arith.addf %broadcast_in_dim3A, %get3A_8 : vector<1x10000xf32>
    %mul3A = arith.mulf %get3A_5, %add3A : vector<1x10000xf32>
    %get3A_9 = arith.constant 0 : index
    %get3A_10 = arith.constant 0 : index
    %get3A_11 = vector.load %arg3[%get3A_9, %get3A_10] : memref<1x1xf32, #tpu.memory_space<vmem>>, vector<1x1xf32>
    %get3A_12 = vector.extract %get3A_11[0, 0] : f32 from vector<1x1xf32>
    %add3A_13 = vector.broadcast %get3A_12 : f32 to vector<1x10000xf32>
    %add3A_14 = arith.addf %mul3A, %add3A_13 : vector<1x10000xf32>
    %logistic3A = arith.negf %add3A_14 : vector<1x10000xf32>
    %logistic3A_15 = math.exp %logistic3A : vector<1x10000xf32>
    %logistic3A_16 = arith.constant 1.000000e+00 : f32
    %logistic3A_17 = vector.broadcast %logistic3A_16 : f32 to vector<1x10000xf32>
    %logistic3A_18 = arith.addf %logistic3A_17, %logistic3A_15 : vector<1x10000xf32>
    %logistic3A_19 = arith.divf %logistic3A_17, %logistic3A_18 : vector<1x10000xf32>
    %swap3A = arith.constant 0 : index
    %swap3A_20 = arith.constant 0 : index
    %swap3A_21 = vector.load %arg4[%swap3A, %swap3A_20] : memref<1x10000xf32, #tpu.memory_space<vmem>>, vector<1x10000xf32>
    tpu.vector_store %arg4[%swap3A, %swap3A_20], %logistic3A_19 {strides = array<i32>} : memref<1x10000xf32, #tpu.memory_space<vmem>>, vector<1x10000xf32>,
    return
  }
}

</mosaic_0001>

<sc_bundles>
// kernel: kernel.11.cloned.1.call-start
scs
__scs_entry_jumppad:
0x0: {  	(pc) =	sbr.rel $0x88, $3  }
0x1: {  	(tag) =	ssettag $0x0;
	lr =	simm.s32 $0x1  }
0x2: {  	[smem:$0x3F9B] =	sst lr;
	_ =	strace $0xD0000000  }
0x3: {  	_ = 	snop  }
0x4: {  	_ = 	snop  }
0x5: {  	_ = 	snop  }
0x6: {  	_ = 	snop  }
0x7: {  	_ = 	snop  }
__scs_overlays_trampoline_lowered:
0x8: {  	[smem:$0x3FAA] =	sst s0  }
0x9: {  	[smem:$0x3FAB] =	sst s1  }
0xa: {  	[smem:$0x3FAC] =	sst s2  }
0xb: {  	[smem:$0x3FAD] =	sst s3  }
0xc: {  	[smem:$0x3FAE] =	sst s4  }
0xd: {  	[smem:$0x3FAF] =	sst s5  }
0xe: {  	[smem:$0x3FB0] =	sst s6  }
0xf: {  	[smem:$0x3FB1] =	sst s7  }
0x10: {  	[smem:$0x3FB2] =	sst s8  }
0x11: {  	[smem:$0x3FB3] =	sst s9;
	s0 =	simm.s32 @!p0 $0x0  }
0x12: {  	s1 =	sld [smem:$0x3F99];
	s0 =	simm.s32 @p0 $0x1  }
0x13: {  	[smem:$0x3FB4] =	sst s0;
	s0 =	simm.s32 @!p1 $0x0  }
0x14: {  	s2 =	sld [smem:$0x3F98];
	s0 =	simm.s32 @p1 $0x1  }
0x15: {  	[smem:$0x3FB5] =	sst s0;
	s0 =	simm.s32 @!p2 $0x0  }
0x16: {  	s3 =	sld [smem:$0x3FDB];
	s0 =	simm.s32 @p2 $0x1  }
0x17: {  	s4 =	simm.s32 $0x1BF5;
	[smem:$0x3FB7] =	sst s0  }
0x18: {  	s0 =	sld [smem:$0x3F9A];
	_ =	swait.ge [sflag:s4], $0x0  }
0x19: {  	s7 =	sld [smem:$0x3F9B]  }
0x1a: {  	s8 =	sadd.s32 $0xFFFFE003, lr  }
0x1b: {  	s9 =	sadd.s32 $0xFFFFFEF7, lr;
	s5 =	simm.s32 $0xFFFFFFFF;
	p2 =	slt.u32 s8, $0xFFFFF086  }
0x1c: {  	p1 =	slt.u32 s9, $0xF7A;
	s5 =	simm.s32 @!p2 $0x0  }
0x1d: {  	s5 =	simm.s32 @p1 $0x1;
	p0 =	seq.s32 s7, s2  }
0x1e: {  	s7 =	smul.u32 @!p0 $0xF7A, s2;
	p2 =	seq.s32 @!p0 s5, $0x0  }
0x1f: {  	s9 =	smul.u32 $0xF7A, s1;
	s8 =	simm.s32 @!p0 $0x1BF5;
	p2 =	por !p2, p0  }
0x20: {  	[sflag:s8] =	ssyncset.s32 @!p0 $0xFFFFF086;
	s6 =	sadd.s32 @!p0 s3, s7;
	s7 =	simm.s32 @!p0 $0x108  }
0x21: {  	s3 =	sadd.s32 s3, s9;
	s6 =	sadd.s32 @!p0 $0x88, s6;
	s7 =	simm.s32 @p2 $0x1082  }
0x22: {  	[simem:s7], [sflag:s8] =	dma.local @!p0 [hbm:s6], $0xF7A  }
0x23: {  	s9 =	sor.u32 $0xD0000000, s2;
	s6 =	simm.s32 $0x108;
	_ =	swait.ge @!p0 [sflag:s8], $0x0  }
0x24: {  	s3 =	sadd.s32 $0x88, s3;
	s6 =	simm.s32 @!p1 $0x1082;
	[sflag:s4] =	ssyncset.s32 $0xFFFFF086  }
0x25: {  	[simem:s6], [sflag:s4] =	dma.local [hbm:s3], $0xF7A  }
0x26: {  	[smem:$0x3F9B] =	sst s1;
	(tag) =	ssettag s2;
	_ =	strace s9  }
0x27: {  	s1 =	sld [smem:$0x3FAB]  }
0x28: {  	s2 =	sld [smem:$0x3FAC]  }
0x29: {  	s4 =	sld [smem:$0x3FAE]  }
0x2a: {  	p0 =	seq.s32 s5, $0x0;
	s5 =	sld [smem:$0x3FAF]  }
0x2b: {  	s6 =	sld [smem:$0x3FB0]  }
0x2c: {  	s7 =	sld [smem:$0x3FB1]  }
0x2d: {  	s3 =	simm.s32 $0x108;
	s8 =	sld [smem:$0x3FB2]  }
0x2e: {  	s3 =	simm.s32 @!p0 $0x1082;
	s9 =	sld [smem:$0x3FB3]  }
0x2f: {  	lr =	sadd.s32 s0, s3;
	s0 =	sld [smem:$0x3FAA]  }
0x30: {  	s3 =	sld [smem:$0x3FAD]  }
0x31: {  	[smem:$0x3FB6] =	sst s10  }
0x32: {  	s10 =	sld [smem:$0x3FB4];
	_ =	sdelay $0x3  }
0x33: {  	p0 =	seq.s32 s10, $0x1;
	s10 =	sld [smem:$0x3FB6];
	_ =	sdelay $0x3  }
0x34: {  	[smem:$0x3FB6] =	sst s10  }
0x35: {  	s10 =	sld [smem:$0x3FB5];
	_ =	sdelay $0x3  }
0x36: {  	p1 =	seq.s32 s10, $0x1;
	s10 =	sld [smem:$0x3FB6];
	_ =	sdelay $0x3  }
0x37: {  	[smem:$0x3FB6] =	sst s10  }
0x38: {  	s10 =	sld [smem:$0x3FB7]  }
0x39: {  	_ = 	snop;
	(pc) =	sbr.ind lr, $3  }
0x3a: {  	_ = 	snop  }
0x3b: {  	_ = 	snop  }
0x3c: {  	p2 =	seq.s32 s10, $0x1;
	s10 =	sld [smem:$0x3FB6]  }
0x3d: {  	_ =	shalt  }
0x3e: {  	_ =	shalt  }
0x3f: {  	_ =	shalt  }
0x40: {  	_ =	shalt  }
0x41: {  	_ =	shalt  }
0x42: {  	_ =	shalt  }
0x43: {  	_ =	shalt  }
0x44: {  	_ =	shalt  }
0x45: {  	_ =	shalt  }
0x46: {  	_ =	shalt  }
0x47: {  	_ =	shalt  }
0x48: {  	_ =	shalt  }
0x49: {  	_ =	shalt  }
0x4a: {  	_ =	shalt  }
0x4b: {  	_ =	shalt  }
0x4c: {  	_ =	shalt  }
0x4d: {  	_ =	shalt  }
0x4e: {  	_ =	shalt  }
0x4f: {  	_ =	shalt  }
0x50: {  	_ =	shalt  }
0x51: {  	_ =	shalt  }
0x52: {  	_ =	shalt  }
0x53: {  	_ =	shalt  }
0x54: {  	_ =	shalt  }
0x55: {  	_ =	shalt  }
0x56: {  	_ =	shalt  }
0x57: {  	_ =	shalt  }
0x58: {  	_ =	shalt  }
0x59: {  	_ =	shalt  }
0x5a: {  	_ =	shalt  }
0x5b: {  	_ =	shalt  }
0x5c: {  	_ =	shalt  }
0x5d: {  	_ =	shalt  }
0x5e: {  	_ =	shalt  }
0x5f: {  	_ =	shalt  }
0x60: {  	_ =	shalt  }
0x61: {  	_ =	shalt  }
0x62: {  	_ =	shalt  }
0x63: {  	_ =	shalt  }
0x64: {  	_ =	shalt  }
0x65: {  	_ =	shalt  }
0x66: {  	_ =	shalt  }
0x67: {  	_ =	shalt  }
0x68: {  	_ =	shalt  }
0x69: {  	_ =	shalt  }
0x6a: {  	_ =	shalt  }
0x6b: {  	_ =	shalt  }
0x6c: {  	_ =	shalt  }
0x6d: {  	_ =	shalt  }
0x6e: {  	_ =	shalt  }
0x6f: {  	_ =	shalt  }
0x70: {  	_ =	shalt  }
0x71: {  	_ =	shalt  }
0x72: {  	_ =	shalt  }
0x73: {  	_ =	shalt  }
0x74: {  	_ =	shalt  }
0x75: {  	_ =	shalt  }
0x76: {  	_ =	shalt  }
0x77: {  	_ =	shalt  }
0x78: {  	_ =	shalt  }
0x79: {  	_ =	shalt  }
0x7a: {  	_ =	shalt  }
0x7b: {  	_ =	shalt  }
0x7c: {  	_ =	shalt  }
0x7d: {  	_ =	shalt  }
0x7e: {  	_ =	shalt  }
0x7f: {  	_ =	shalt  }
0x80: {  	_ =	shalt  }
0x81: {  	_ =	shalt  }
0x82: {  	_ =	shalt  }
0x83: {  	_ =	shalt  }
0x84: {  	_ =	shalt  }
0x85: {  	_ =	shalt  }
0x86: {  	_ =	shalt  }
0x87: {  	_ =	shalt  }
.Lfunc_end0:
.L_simem_size_0:
called_computation.1_lowered:
.L_overlay_start_0:
0x88: {  	s2 =	sld [smem:$0x3FD9]  }
0x89: {  	s3 =	sld [smem:$0x3FFE];
	_ =	sdelay $0x1  }
0x8a: {  	s1 =	srdreg.scid  }
0x8b: {  	s0 =	sand.u32 $0x1, s1  }
0x8c: {  	s17 =	sshll.u32 s0, $0xA;
	s2 =	sadd.s32 s3, s2  }
0x8d: {  	s2 =	sadd.s32 s2, s17  }
0x8e: {  	[smem:$0x3FC2] =	sst s2  }
0x8f: {  	_ = 	snop  }
0x90: {  	s2 =	sld [smem:$0x3FD0];
	(tm) =	ssettm $0x1  }
0x91: {  	s18 =	sld [smem:$0x3FFB];
	_ =	sdelay $0x3  }
0x92: {  	_ =	strace s18  }
0x93: {  	s3 =	sld [smem:$0x3FFC];
	_ =	sdelay $0x3  }
0x94: {  	_ =	strace s3  }
0x95: {  	s3 =	sld [smem:$0x3FFD];
	_ =	sdelay $0x3  }
0x96: {  	_ =	strace s3  }
0x97: {  	_ =	strace $0x8FFFFFFF  }
0x98: {  	s19 =	sld [smem:$0x3FDB];
	_ =	sdelay $0x1  }
0x99: {  	s4 =	simm.s32 $_scs_section_size  }
0x9a: {  	s5 =	simm.s32 $_size__tile_overlayer_lowered;
	s6 =	simm.s32 $_tile_overlayer_lowered  }
0x9b: {  	s22 =	simm.s32 $0x1BFF;
	s21 =	sshll.u32 s6, $0x1;
	s3 =	sadd.s32 s4, s19  }
0x9c: {  	s7 =	simm.s32 $0x0;
	s20 =	sshll.u32 s5, $0x1;
	s5 =	sadd.s32 s21, s3  }
0x9d: {  	[timem:s7], [sflag:s22] =	dma.local [hbm:s5], s20  }
0x9e: {  	_ =	swait.ge [sflag:s22], s20  }
0x9f: {  	s4 =	ssub.s32 $0x0, s20;
	[sflag:s22] =	ssyncset.done $0x0  }
0xa0: {  	[sflag:s22] =	ssyncadd.s32 s4;
	_ =	sdelay $0x1  }
0xa1: {  	s23 =	simm.s32 $0x1B8B  }
0xa2: {  	_ =	swait.ge [sflag:s23], $0x1  }
0xa3: {  	[sflag:s23] =	ssyncset.done $0x0  }
0xa4: {  	s25 =	simm.s32 $0x1B8E;
	s24 =	sld [smem:$0x3FFE];
	[sflag:s23] =	ssyncadd.s32 $0xFFFFFFFF  }
0xa5: {  	s26 =	simm.s32 $execute0_lowered;
	[smem:$0x3FD2] =	sst s25  }
0xa6: {  	s5 =	sshll.u32 s26, $0x1;
	_ =	strace $0x80000049;
	[dreg:$0x1] =	wrdreg $0xFFFFFFFF  }
0xa7: {  	s28 =	simm.s32 $_size_execute0_lowered;
	s3 =	sadd.s32 s3, s5;
	[dreg:$0x0] =	wrdreg $0x0  }
0xa8: {  	s5 =	sshll.u32 s28, $0x1;
	[dreg:$0x2] =	wrdreg s3  }
0xa9: {  	[dreg:$0x3] =	wrdreg s5  }
0xaa: {  	[dreg:$0x4] =	wrdreg $0xC0  }
0xab: {  	_ =	task [dreg:s7], $0x5FFFF  }
0xac: {  	[dreg:$0x1] =	wrdreg $0xFFFFFFFF  }
0xad: {  	[dreg:$0x0] =	wrdreg $0x60  }
0xae: {  	[dreg:$0x2] =	wrdreg s24  }
0xaf: {  	[dreg:$0x3] =	wrdreg s2  }
0xb0: {  	[dreg:$0x4] =	wrdreg $0x151800  }
0xb1: {  	[dreg:$0x5] =	wrdreg $0xB1800  }
0xb2: {  	[dreg:$0x6] =	wrdreg $0x9  }
0xb3: {  	_ =	task.clear_ibuf [dreg:s7], $0x7FFFF;
	_ =	strace $0x90000049  }
0xb4: {  	s29 =	simm.s32 $0x9;
	_ =	strace $0x8000004B  }
0xb5: {  	_ =	swait.ge [sflag:s29], $0x1  }
0xb6: {  	[sflag:s29] =	ssyncadd.s32 $0xFFFFFFFF  }
0xb7: {  	_ =	strace $0x9000004B  }
0xb8: {  	_ =	sfence  }
0xb9: {  	s30 =	sld [smem:$0x0];
	_ =	sdelay $0x2  }
0xba: {  	s31 =	sshll.u32 s1, $0xD;
	s1 =	sshrl.u32 s1, $0x2  }
0xbb: {  	s3 =	sand.u32 $0x4000, s31;
	s1 =	sadd.s32 s1, s30  }
0xbc: {  	s0 =	sor.u32 s3, s0;
	s1 =	sshll.u32 s1, $0x11  }
0xbd: {  	s0 =	sor.u32 s1, s0  }
0xbe: {  	s0 =	sadd.s32 $0x8F2B, s0  }
0xbf: {  	[sflag:s0] =	ssyncadd.remote.s32 $0x1  }
0xc0: {  	_ =	sfence.sel $0xFFFF  }
0xc1: {  	[dreg:$0x0] =	wrdreg $0xFFFFFFFF;
	(pc) =	sbr.abs _section_cstart, $3  }
0xc2: {  	[dreg:$0x1] =	wrdreg $0xFFFFFFFF  }
0xc3: {  	_ =	task.clear_ibuf [dreg:s7], $0x2FFFF;
	_ =	strace $0x9FFFFFFF  }
0xc4: {  	(tm) =	ssettm $0x7FFFFFFF  }
0xc5: {  	_ =	shalt  }
tec
execute0_lowered:
.L_overlay_start_1:
0x0: {  	(tag) =	ssettag $0x1  }
0x1: {  	s6 =	rddreg [dreg:$0x0]  }
0x2: {  	s1 =	rddreg [dreg:$0x1]  }
0x3: {  	s0 =	stileid.u32;
	s3 =	rddreg [dreg:$0x2]  }
0x4: {  	s2 =	srdreg.scid;
	s4 =	rddreg [dreg:$0x3];
	s5 =	simm.s32 $0x0  }
0x5: {  	s20 =	simm.s32 $0x5180;
	s21 =	simm.s32 $0x80;
	s22 =	simm.s32 $0x7180  }
0x6: {  	s23 =	simm.s32 $0x100;
	s24 =	simm.s32 $0x9180;
	s25 =	simm.s32 $0x1  }
0x7: {  	s28 =	simm.s32 $0x5100;
	s29 =	simm.s32 $0x0;
	s8 =	smul.u32 $0x9C40, s0  }
0x8: {  	s7 =	sand.u32 $0x1, s2;
	s26 =	sshll.u32 s0, $0x1;
	s11 =	smul.u32 $0xA000, s0  }
0x9: {  	[smem:$0x7FF] =	sst s5;
	s15 =	smul.u32 $0x28000, s0;
	s18 =	sshll.u32 s0, $0x6  }
0xa: {  	s9 =	sor.u32 s7, s26;
	s13 =	smul.u32 $0xA0000, s7;
	_ =	strace $0x8000004A  }
0xb: {  	s7 =	ssub.s32 $0x2, s7;
	s18 =	sor.u32 $0x1C02, s18;
	s10 =	smul.u32 $0x530, s9  }
0xc: {  	s26 =	simm.s32 $0x5080;
	s12 =	sshrl.u32 s8, $0x3;
	s9 =	smul.u32 $0x500, s9  }
0xd: {  	s14 =	sshrl.u32 s7, $0x1;
	s30 =	sshrl.u32 s15, $0x2;
	s19 =	sadd.s32 s8, s3  }
0xe: {  	s12 =	sadd.s32 s12, s6;
	s13 =	sadd.s32 s11, s13;
	s17 =	ssub.s32 s7, s14  }
0xf: {  	s31 =	sadd.s32 s30, s4;
	s19 =	sshrl.u32 s19, $0x3;
	s10 =	sadd.s32 s10, s6  }
0x10: {  	s13 =	sshrl.u32 s13, $0x3;
	s9 =	sadd.s32 s9, s6;
	s8 =	sadd.s32 $0x33400, s12  }
0x11: {  	s12 =	sadd.s32 $0x6000, s31;
	s15 =	smax.u32 s17, $0x1;
	s17 =	simm.s32 $0x2980  }
0x12: {  	s16 =	sadd.s32 s13, s6;
	s6 =	sadd.s32 $0x1EE00, s10;
	s7 =	sadd.s32 $0x29400, s9  }
0x13: {  	s9 =	sadd.s32 s11, s4;
	s10 =	sadd.s32 $0x2000, s31;
	s11 =	sadd.s32 $0x4000, s31  }
0x14: {  	s13 =	sadd.s32 $0x8000, s31;
	s14 =	sadd.s32 $0x46E00, s16;
	s16 =	simm.s32 $0x2  }
.LBB2_1:
0x15: {  	[tilespmem:s5], [sflag:$0x2] =	stream.linear.gather [hbm4b:s6+s5], $0x2980, $0x38;
	[tilespmem:$0x1EDC0] =	vst v63  }
0x16: {  	_ =	swait.ge [sflag:s16], $0x2980  }
0x17: {  	[sflag:s16] =	ssyncset.done $0x0  }
0x18: {  	[sflag:s16] =	ssyncadd.s32 $0xFFFFD680  }
0x19: {  	[tilespmem:s17], [sflag:$0x2] =	stream.linear.gather [hbm4b:s7+s5], $0x2800, $0x38;
	[tilespmem:$0x1EDC0] =	vst v63  }
0x1a: {  	_ =	swait.ge [sflag:s16], $0x2800  }
0x1b: {  	[sflag:s16] =	ssyncset.done $0x0  }
0x1c: {  	[sflag:s16] =	ssyncadd.s32 $0xFFFFD800  }
0x1d: {  	[spmem:s19], [sflag:s18] =	dma.local [hbm:s8], $0x1388  }
0x1e: {  	_ =	swait.ge [sflag:s16], $0x1388  }
0x1f: {  	[sflag:s16] =	ssyncset.done $0x0  }
0x20: {  	[sflag:s16] =	ssyncadd.s32 $0xFFFFEC78  }
0x21: {  	[tilespmem:s20], [sflag:$0x2] =	stream.linear.gather [hbm4b:s1+s5], $0x2000, $0x38;
	[tilespmem:$0x1EDC0] =	vst v63  }
0x22: {  	_ =	swait.ge [sflag:s16], $0x2000  }
0x23: {  	[sflag:s16] =	ssyncset.done $0x0  }
0x24: {  	[sflag:s16] =	ssyncadd.s32 $0xFFFFE000  }
0x25: {  	[spmem:s9] =	stream.linear.scatter [tilespmem:s20], [sflag:$0x2], $0x2000, $0x38;
	[tilespmem:$0x1EDC0] =	vst v63  }
0x26: {  	_ =	swait.ge [sflag:s16], $0x2000  }
0x27: {  	[sflag:s16] =	ssyncset.done $0x0  }
0x28: {  	[sflag:s16] =	ssyncadd.s32 $0xFFFFE000  }
0x29: {  	[spmem:s10] =	stream.linear.scatter [tilespmem:s20], [sflag:$0x2], $0x2000, $0x38;
	[tilespmem:$0x1EDC0] =	vst v63  }
0x2a: {  	_ =	swait.ge [sflag:s16], $0x2000  }
0x2b: {  	[sflag:s16] =	ssyncset.done $0x0  }
0x2c: {  	[sflag:s16] =	ssyncadd.s32 $0xFFFFE000  }
0x2d: {  	[spmem:s11] =	stream.linear.scatter [tilespmem:s20], [sflag:$0x2], $0x2000, $0x38;
	[tilespmem:$0x1EDC0] =	vst v63  }
0x2e: {  	_ =	swait.ge [sflag:s16], $0x2000  }
0x2f: {  	[sflag:s16] =	ssyncset.done $0x0  }
0x30: {  	[sflag:s16] =	ssyncadd.s32 $0xFFFFE000  }
0x31: {  	[spmem:s12] =	stream.linear.scatter [tilespmem:s20], [sflag:$0x2], $0x2000, $0x38;
	[tilespmem:$0x1EDC0] =	vst v63  }
0x32: {  	_ =	swait.ge [sflag:s16], $0x2000  }
0x33: {  	[sflag:s16] =	ssyncset.done $0x0  }
0x34: {  	[sflag:s16] =	ssyncadd.s32 $0xFFFFE000  }
0x35: {  	[spmem:s13] =	stream.linear.scatter [tilespmem:s20], [sflag:$0x2], $0x2000, $0x38;
	[tilespmem:$0x1EDC0] =	vst v63  }
0x36: {  	_ =	swait.ge [sflag:s16], $0x2000  }
0x37: {  	[sflag:s16] =	ssyncset.done $0x0  }
0x38: {  	[sflag:s16] =	ssyncadd.s32 $0xFFFFE000  }
0x39: {  	[bflag:$0x0] =	sbarrier.arrive $0xFFFF  }
0x3a: {  	[tilespmem:s20], [sflag:$0x1] =	stream.indirect.gather [spmem:s3], $0x40, s5, s21, $0xb8;
	[tilespmem:$0x1EDC0] =	vst v63  }
0x3b: {  	_ = 	snop  }
0x3c: {  	[tilespmem:s22], [sflag:$0x1] =	stream.indirect.gather [spmem:s3], $0x40, s21, s21, $0xb8;
	[tilespmem:$0x1EDC0] =	vst v63  }
0x3d: {  	_ = 	snop  }
0x3e: {  	[tilespmem:s24], [sflag:$0x1] =	stream.indirect.gather [spmem:s3], $0x40, s23, s21, $0xb8;
	[tilespmem:$0x1EDC0] =	vst v63  }
0x3f: {  	_ =	swait.ge [sflag:s25], $0x2000  }
0x40: {  	[sflag:s25] =	ssyncset.done $0x0  }
0x41: {  	s30 =	simm.s32 $0x2980;
	[sflag:s25] =	ssyncadd.s32 $0xFFFFE000  }
0x42: {  	[spmem:s4] =	stream.indirect.scatter.add.f32 [tilespmem:s20], [sflag:$0x2], $0x40, s30, s21, $0xb8;
	[tilespmem:$0x1EDC0] =	vst v63  }
0x43: {  	_ =	swait.ge [sflag:s16], $0x2000  }
0x44: {  	[sflag:s16] =	ssyncset.done $0x0  }
0x45: {  	s30 =	simm.s32 $0x180;
	[sflag:s16] =	ssyncadd.s32 $0xFFFFE000  }
0x46: {  	[tilespmem:s20], [sflag:$0x1] =	stream.indirect.gather [spmem:s3], $0x40, s30, s21, $0xb8;
	[tilespmem:$0x1EDC0] =	vst v63  }
0x47: {  	_ =	swait.ge [sflag:s25], $0x2000  }
0x48: {  	[sflag:s25] =	ssyncset.done $0x0  }
0x49: {  	s30 =	simm.s32 $0x2A00;
	[sflag:s25] =	ssyncadd.s32 $0xFFFFE000  }
0x4a: {  	[spmem:s4] =	stream.indirect.scatter.add.f32 [tilespmem:s22], [sflag:$0x2], $0x40, s30, s21, $0xb8;
	[tilespmem:$0x1EDC0] =	vst v63  }
0x4b: {  	_ =	swait.ge [sflag:s16], $0x2000  }
0x4c: {  	[sflag:s16] =	ssyncset.done $0x0  }
0x4d: {  	s30 =	simm.s32 $0x200;
	[sflag:s16] =	ssyncadd.s32 $0xFFFFE000  }
0x4e: {  	[tilespmem:s22], [sflag:$0x1] =	stream.indirect.gather [spmem:s3], $0x40, s30, s21, $0xb8;
	[tilespmem:$0x1EDC0] =	vst v63  }
0x4f: {  	_ =	swait.ge [sflag:s25], $0x2000  }
0x50: {  	[sflag:s25] =	ssyncset.done $0x0  }
0x51: {  	s30 =	simm.s32 $0x2A80;
	[sflag:s25] =	ssyncadd.s32 $0xFFFFE000  }
0x52: {  	[spmem:s4] =	stream.indirect.scatter.add.f32 [tilespmem:s24], [sflag:$0x2], $0x40, s30, s21, $0xb8;
	[tilespmem:$0x1EDC0] =	vst v63  }
0x53: {  	_ =	swait.ge [sflag:s16], $0x2000  }
0x54: {  	[sflag:s16] =	ssyncset.done $0x0  }
0x55: {  	s31 =	simm.s32 $0x280;
	s30 =	simm.s32 $0x600;
	[sflag:s16] =	ssyncadd.s32 $0xFFFFE000  }
.LBB2_2:
0x56: {  	[tilespmem:s24], [sflag:$0x1] =	stream.indirect.gather [spmem:s3], $0x40, s31, s21, $0xb8;
	[tilespmem:$0x1EDC0] =	vst v63  }
0x57: {  	s31 =	smov.u32 s30  }
0x58: {  	p0 =	sne.s32 s30, $0x9600;
	s30 =	sadd.s32 $0x600, s30;
	_ =	swait.ge [sflag:s25], $0x2000  }
0x59: {  	s31 =	sshra.s32 s31, $0x2;
	[sflag:s25] =	ssyncset.done $0x0  }
0x5a: {  	s2 =	sadd.s32 $0x2980, s31;
	[sflag:s25] =	ssyncadd.s32 $0xFFFFE000  }
0x5b: {  	[spmem:s4] =	stream.indirect.scatter.add.f32 [tilespmem:s20], [sflag:$0x2], $0x40, s2, s21, $0xb8;
	[tilespmem:$0x1EDC0] =	vst v63  }
0x5c: {  	_ =	swait.ge [sflag:s16], $0x2000  }
0x5d: {  	[sflag:s16] =	ssyncset.done $0x0  }
0x5e: {  	s2 =	sadd.s32 $0x180, s31;
	[sflag:s16] =	ssyncadd.s32 $0xFFFFE000  }
0x5f: {  	[tilespmem:s20], [sflag:$0x1] =	stream.indirect.gather [spmem:s3], $0x40, s2, s21, $0xb8;
	[tilespmem:$0x1EDC0] =	vst v63  }
0x60: {  	_ =	swait.ge [sflag:s25], $0x2000  }
0x61: {  	[sflag:s25] =	ssyncset.done $0x0  }
0x62: {  	s2 =	sadd.s32 $0x2A00, s31;
	[sflag:s25] =	ssyncadd.s32 $0xFFFFE000  }
0x63: {  	[spmem:s4] =	stream.indirect.scatter.add.f32 [tilespmem:s22], [sflag:$0x2], $0x40, s2, s21, $0xb8;
	[tilespmem:$0x1EDC0] =	vst v63  }
0x64: {  	_ =	swait.ge [sflag:s16], $0x2000  }
0x65: {  	[sflag:s16] =	ssyncset.done $0x0  }
0x66: {  	s2 =	sadd.s32 $0x200, s31;
	[sflag:s16] =	ssyncadd.s32 $0xFFFFE000  }
0x67: {  	[tilespmem:s22], [sflag:$0x1] =	stream.indirect.gather [spmem:s3], $0x40, s2, s21, $0xb8;
	[tilespmem:$0x1EDC0] =	vst v63  }
0x68: {  	_ =	swait.ge [sflag:s25], $0x2000  }
0x69: {  	[sflag:s25] =	ssyncset.done $0x0  }
.Ltmp0:
0x6a: {  	s2 =	sadd.s32 $0x2A80, s31;
	[sflag:s25] =	ssyncadd.s32 $0xFFFFE000;
	(pc) =	sbr.rel @p0 .LBB2_2-.Ltmp0, $4  }
0x6b: {  	[spmem:s4] =	stream.indirect.scatter.add.f32 [tilespmem:s24], [sflag:$0x2], $0x40, s2, s21, $0xb8;
	[tilespmem:$0x1EDC0] =	vst v63  }
0x6c: {  	_ =	swait.ge [sflag:s16], $0x2000  }
0x6d: {  	[sflag:s16] =	ssyncset.done $0x0  }
0x6e: {  	s31 =	sadd.s32 $0x280, s31;
	[sflag:s16] =	ssyncadd.s32 $0xFFFFE000  }
0x6f: {  	[tilespmem:s24], [sflag:$0x1] =	stream.indirect.gather [spmem:s3], $0x40, s31, s21, $0xb8;
	[tilespmem:$0x1EDC0] =	vst v63  }
0x70: {  	_ =	swait.ge [sflag:s25], $0x2000  }
0x71: {  	[sflag:s25] =	ssyncset.done $0x0  }
0x72: {  	[sflag:s25] =	ssyncadd.s32 $0xFFFFE000  }
0x73: {  	[spmem:s4] =	stream.indirect.scatter.add.f32 [tilespmem:s20], [sflag:$0x2], $0x40, s26, s21, $0xb8;
	[tilespmem:$0x1EDC0] =	vst v63  }
0x74: {  	_ =	swait.ge [sflag:s16], $0x2000  }
0x75: {  	[sflag:s16] =	ssyncset.done $0x0  }
0x76: {  	[sflag:s16] =	ssyncadd.s32 $0xFFFFE000  }
0x77: {  	_ =	swait.ge [sflag:s25], $0x2000  }
0x78: {  	[sflag:s25] =	ssyncset.done $0x0  }
0x79: {  	[sflag:s25] =	ssyncadd.s32 $0xFFFFE000  }
0x7a: {  	[spmem:s4] =	stream.indirect.scatter.add.f32 [tilespmem:s22], [sflag:$0x2], $0x40, s28, s21, $0xb8;
	[tilespmem:$0x1EDC0] =	vst v63  }
0x7b: {  	_ =	swait.ge [sflag:s16], $0x2000  }
0x7c: {  	[sflag:s16] =	ssyncset.done $0x0  }
0x7d: {  	[sflag:s16] =	ssyncadd.s32 $0xFFFFE000  }
0x7e: {  	_ =	swait.ge [sflag:s25], $0x2000  }
0x7f: {  	s29 =	sadd.s32 $0x1, s29;
	[sflag:s25] =	ssyncset.done $0x0  }
0x80: {  	p0 =	sne.s32 s29, s15;
	[sflag:s25] =	ssyncadd.s32 $0xFFFFE000  }
.Ltmp1:
0x81: {  	s2 =	sshrl.u32 s9, $0x3;
	[bflag:$0x0] =	sbarrier.arrive $0xFFFF;
	(pc) =	sbr.rel @p0 .LBB2_1-.Ltmp1, $4  }
0x82: {  	[hbm:s14], [sflag:s18] =	dma.local [spmem:s2], $0x1400  }
0x83: {  	_ =	swait.ge [sflag:s16], $0x1400  }
0x84: {  	[sflag:s16] =	ssyncset.done $0x0  }
0x85: {  	[sflag:s16] =	ssyncadd.s32 $0xFFFFEC00  }
0x86: {  	_ =	sfence.sel $0x180000  }
0x87: {  	[bflag:$0x0] =	sbarrier.arrive $0xFFFF  }
0x88: {  	_ =	strace $0x9000004A  }
0x89: {  	[bflag:$0x2] =	sbarrier.arrive $0xFFFF  }
0x8a: {  	p0 =	sne.s32 s0, $0x0;
	s0 =	rddreg [dreg:$0x4]  }
0x8b: {  	s0 =	sadd.s32 @!p0 $0x100000, s0  }
0x8c: {  	[sflag:s0] =	ssyncadd.tile.s32 @!p0 $0x1;
	_ =	shalt  }
.Lfunc_end2:
_tile_overlayer_lowered:
.L_overlay_start_2:
0x8d: {  	(tag) =	ssettag $0x2  }
0x8e: {  	s0 =	rddreg [dreg:$0x0];
	s2 =	stileid.u32  }
0x8f: {  	s1 =	rddreg [dreg:$0x1];
	p0 =	sne.s32 s2, $0x0  }
0x90: {  	s3 =	rddreg [dreg:$0x2];
	[bflag:$0x3] =	sbarrier.arrive $0xFFFF;
	s2 =	simm.s32 @!p0 $0x1C02  }
0x91: {  	[timem:s3], [sflag:s2] =	dma.local @!p0 [hbm:s0], s1  }
0x92: {  	s0 =	simm.s32 @!p0 $0x2  }
0x93: {  	_ =	swait.ge @!p0 [sflag:s0], s1  }
0x94: {  	s1 =	ssub.s32 @!p0 $0x0, s1;
	[sflag:s0] =	ssyncset.done @!p0 $0x0  }
0x95: {  	[sflag:s0] =	ssyncadd.s32 @!p0 s1  }
0x96: {  	[bflag:$0x3] =	sbarrier.arrive $0xFFFF  }
0x97: {  	_ =	shalt  }

// kernel: kernel.14.cloned.1.call-start
scs
__scs_entry_jumppad:
0x0: {  	(pc) =	sbr.rel $0x88, $3  }
0x1: {  	(tag) =	ssettag $0x0;
	lr =	simm.s32 $0x1  }
0x2: {  	[smem:$0x3F9B] =	sst lr;
	_ =	strace $0xD0000000  }
0x3: {  	_ = 	snop  }
0x4: {  	_ = 	snop  }
0x5: {  	_ = 	snop  }
0x6: {  	_ = 	snop  }
0x7: {  	_ = 	snop  }
__scs_overlays_trampoline_lowered:
0x8: {  	[smem:$0x3FAA] =	sst s0  }
0x9: {  	[smem:$0x3FAB] =	sst s1  }
0xa: {  	[smem:$0x3FAC] =	sst s2  }
0xb: {  	[smem:$0x3FAD] =	sst s3  }
0xc: {  	[smem:$0x3FAE] =	sst s4  }
0xd: {  	[smem:$0x3FAF] =	sst s5  }
0xe: {  	[smem:$0x3FB0] =	sst s6  }
0xf: {  	[smem:$0x3FB1] =	sst s7  }
0x10: {  	[smem:$0x3FB2] =	sst s8  }
0x11: {  	[smem:$0x3FB3] =	sst s9;
	s0 =	simm.s32 @!p0 $0x0  }
0x12: {  	s1 =	sld [smem:$0x3F99];
	s0 =	simm.s32 @p0 $0x1  }
0x13: {  	[smem:$0x3FB4] =	sst s0;
	s0 =	simm.s32 @!p1 $0x0  }
0x14: {  	s2 =	sld [smem:$0x3F98];
	s0 =	simm.s32 @p1 $0x1  }
0x15: {  	[smem:$0x3FB5] =	sst s0;
	s0 =	simm.s32 @!p2 $0x0  }
0x16: {  	s3 =	sld [smem:$0x3FDB];
	s0 =	simm.s32 @p2 $0x1  }
0x17: {  	s4 =	simm.s32 $0x1BF5;
	[smem:$0x3FB7] =	sst s0  }
0x18: {  	s0 =	sld [smem:$0x3F9A];
	_ =	swait.ge [sflag:s4], $0x0  }
0x19: {  	s7 =	sld [smem:$0x3F9B]  }
0x1a: {  	s8 =	sadd.s32 $0xFFFFE003, lr  }
0x1b: {  	s9 =	sadd.s32 $0xFFFFFEF7, lr;
	s5 =	simm.s32 $0xFFFFFFFF;
	p2 =	slt.u32 s8, $0xFFFFF086  }
0x1c: {  	p1 =	slt.u32 s9, $0xF7A;
	s5 =	simm.s32 @!p2 $0x0  }
0x1d: {  	s5 =	simm.s32 @p1 $0x1;
	p0 =	seq.s32 s7, s2  }
0x1e: {  	s7 =	smul.u32 @!p0 $0xF7A, s2;
	p2 =	seq.s32 @!p0 s5, $0x0  }
0x1f: {  	s9 =	smul.u32 $0xF7A, s1;
	s8 =	simm.s32 @!p0 $0x1BF5;
	p2 =	por !p2, p0  }
0x20: {  	[sflag:s8] =	ssyncset.s32 @!p0 $0xFFFFF086;
	s6 =	sadd.s32 @!p0 s3, s7;
	s7 =	simm.s32 @!p0 $0x108  }
0x21: {  	s3 =	sadd.s32 s3, s9;
	s6 =	sadd.s32 @!p0 $0x88, s6;
	s7 =	simm.s32 @p2 $0x1082  }
0x22: {  	[simem:s7], [sflag:s8] =	dma.local @!p0 [hbm:s6], $0xF7A  }
0x23: {  	s9 =	sor.u32 $0xD0000000, s2;
	s6 =	simm.s32 $0x108;
	_ =	swait.ge @!p0 [sflag:s8], $0x0  }
0x24: {  	s3 =	sadd.s32 $0x88, s3;
	s6 =	simm.s32 @!p1 $0x1082;
	[sflag:s4] =	ssyncset.s32 $0xFFFFF086  }
0x25: {  	[simem:s6], [sflag:s4] =	dma.local [hbm:s3], $0xF7A  }
0x26: {  	[smem:$0x3F9B] =	sst s1;
	(tag) =	ssettag s2;
	_ =	strace s9  }
0x27: {  	s1 =	sld [smem:$0x3FAB]  }
0x28: {  	s2 =	sld [smem:$0x3FAC]  }
0x29: {  	s4 =	sld [smem:$0x3FAE]  }
0x2a: {  	p0 =	seq.s32 s5, $0x0;
	s5 =	sld [smem:$0x3FAF]  }
0x2b: {  	s6 =	sld [smem:$0x3FB0]  }
0x2c: {  	s7 =	sld [smem:$0x3FB1]  }
0x2d: {  	s3 =	simm.s32 $0x108;
	s8 =	sld [smem:$0x3FB2]  }
0x2e: {  	s3 =	simm.s32 @!p0 $0x1082;
	s9 =	sld [smem:$0x3FB3]  }
0x2f: {  	lr =	sadd.s32 s0, s3;
	s0 =	sld [smem:$0x3FAA]  }
0x30: {  	s3 =	sld [smem:$0x3FAD]  }
0x31: {  	[smem:$0x3FB6] =	sst s10  }
0x32: {  	s10 =	sld [smem:$0x3FB4];
	_ =	sdelay $0x3  }
0x33: {  	p0 =	seq.s32 s10, $0x1;
	s10 =	sld [smem:$0x3FB6];
	_ =	sdelay $0x3  }
0x34: {  	[smem:$0x3FB6] =	sst s10  }
0x35: {  	s10 =	sld [smem:$0x3FB5];
	_ =	sdelay $0x3  }
0x36: {  	p1 =	seq.s32 s10, $0x1;
	s10 =	sld [smem:$0x3FB6];
	_ =	sdelay $0x3  }
0x37: {  	[smem:$0x3FB6] =	sst s10  }
0x38: {  	s10 =	sld [smem:$0x3FB7]  }
0x39: {  	_ = 	snop;
	(pc) =	sbr.ind lr, $3  }
0x3a: {  	_ = 	snop  }
0x3b: {  	_ = 	snop  }
0x3c: {  	p2 =	seq.s32 s10, $0x1;
	s10 =	sld [smem:$0x3FB6]  }
0x3d: {  	_ =	shalt  }
0x3e: {  	_ =	shalt  }
0x3f: {  	_ =	shalt  }
0x40: {  	_ =	shalt  }
0x41: {  	_ =	shalt  }
0x42: {  	_ =	shalt  }
0x43: {  	_ =	shalt  }
0x44: {  	_ =	shalt  }
0x45: {  	_ =	shalt  }
0x46: {  	_ =	shalt  }
0x47: {  	_ =	shalt  }
0x48: {  	_ =	shalt  }
0x49: {  	_ =	shalt  }
0x4a: {  	_ =	shalt  }
0x4b: {  	_ =	shalt  }
0x4c: {  	_ =	shalt  }
0x4d: {  	_ =	shalt  }
0x4e: {  	_ =	shalt  }
0x4f: {  	_ =	shalt  }
0x50: {  	_ =	shalt  }
0x51: {  	_ =	shalt  }
0x52: {  	_ =	shalt  }
0x53: {  	_ =	shalt  }
0x54: {  	_ =	shalt  }
0x55: {  	_ =	shalt  }
0x56: {  	_ =	shalt  }
0x57: {  	_ =	shalt  }
0x58: {  	_ =	shalt  }
0x59: {  	_ =	shalt  }
0x5a: {  	_ =	shalt  }
0x5b: {  	_ =	shalt  }
0x5c: {  	_ =	shalt  }
0x5d: {  	_ =	shalt  }
0x5e: {  	_ =	shalt  }
0x5f: {  	_ =	shalt  }
0x60: {  	_ =	shalt  }
0x61: {  	_ =	shalt  }
0x62: {  	_ =	shalt  }
0x63: {  	_ =	shalt  }
0x64: {  	_ =	shalt  }
0x65: {  	_ =	shalt  }
0x66: {  	_ =	shalt  }
0x67: {  	_ =	shalt  }
0x68: {  	_ =	shalt  }
0x69: {  	_ =	shalt  }
0x6a: {  	_ =	shalt  }
0x6b: {  	_ =	shalt  }
0x6c: {  	_ =	shalt  }
0x6d: {  	_ =	shalt  }
0x6e: {  	_ =	shalt  }
0x6f: {  	_ =	shalt  }
0x70: {  	_ =	shalt  }
0x71: {  	_ =	shalt  }
0x72: {  	_ =	shalt  }
0x73: {  	_ =	shalt  }
0x74: {  	_ =	shalt  }
0x75: {  	_ =	shalt  }
0x76: {  	_ =	shalt  }
0x77: {  	_ =	shalt  }
0x78: {  	_ =	shalt  }
0x79: {  	_ =	shalt  }
0x7a: {  	_ =	shalt  }
0x7b: {  	_ =	shalt  }
0x7c: {  	_ =	shalt  }
0x7d: {  	_ =	shalt  }
0x7e: {  	_ =	shalt  }
0x7f: {  	_ =	shalt  }
0x80: {  	_ =	shalt  }
0x81: {  	_ =	shalt  }
0x82: {  	_ =	shalt  }
0x83: {  	_ =	shalt  }
0x84: {  	_ =	shalt  }
0x85: {  	_ =	shalt  }
0x86: {  	_ =	shalt  }
0x87: {  	_ =	shalt  }
.Lfunc_end0:
.L_simem_size_0:
called_computation.2_lowered:
.L_overlay_start_0:
0x88: {  	s2 =	sld [smem:$0x3FD9]  }
0x89: {  	s3 =	sld [smem:$0x3FFE];
	_ =	sdelay $0x1  }
0x8a: {  	s1 =	srdreg.scid  }
0x8b: {  	s0 =	sand.u32 $0x1, s1  }
0x8c: {  	s16 =	sshll.u32 s0, $0xA;
	s2 =	sadd.s32 s3, s2  }
0x8d: {  	s2 =	sadd.s32 s2, s16  }
0x8e: {  	[smem:$0x3FC2] =	sst s2  }
0x8f: {  	_ = 	snop  }
0x90: {  	(tm) =	ssettm $0x1  }
0x91: {  	s17 =	sld [smem:$0x3FFB];
	_ =	sdelay $0x3  }
0x92: {  	_ =	strace s17  }
0x93: {  	s2 =	sld [smem:$0x3FFC];
	_ =	sdelay $0x3  }
0x94: {  	_ =	strace s2  }
0x95: {  	s2 =	sld [smem:$0x3FFD];
	_ =	sdelay $0x3  }
0x96: {  	_ =	strace s2  }
0x97: {  	_ =	strace $0x8FFFFFFF  }
0x98: {  	s18 =	sld [smem:$0x3FDB];
	_ =	sdelay $0x1  }
0x99: {  	s19 =	simm.s32 $_scs_section_size  }
0x9a: {  	s4 =	simm.s32 $_size__tile_overlayer_lowered;
	s5 =	simm.s32 $_tile_overlayer_lowered  }
0x9b: {  	s22 =	simm.s32 $0x1BFF;
	s21 =	sshll.u32 s5, $0x1;
	s2 =	sadd.s32 s19, s18  }
0x9c: {  	s6 =	simm.s32 $0x0;
	s20 =	sshll.u32 s4, $0x1;
	s4 =	sadd.s32 s21, s2  }
0x9d: {  	[timem:s6], [sflag:s22] =	dma.local [hbm:s4], s20  }
0x9e: {  	_ =	swait.ge [sflag:s22], s20  }
0x9f: {  	s3 =	ssub.s32 $0x0, s20;
	[sflag:s22] =	ssyncset.done $0x0  }
0xa0: {  	[sflag:s22] =	ssyncadd.s32 s3;
	_ =	sdelay $0x1  }
0xa1: {  	s23 =	simm.s32 $0x1B8B  }
0xa2: {  	_ =	swait.ge [sflag:s23], $0x1  }
0xa3: {  	[sflag:s23] =	ssyncset.done $0x0  }
0xa4: {  	s25 =	simm.s32 $0x1B8E;
	s24 =	sld [smem:$0x3FFE];
	[sflag:s23] =	ssyncadd.s32 $0xFFFFFFFF  }
0xa5: {  	s26 =	simm.s32 $execute0_lowered;
	[smem:$0x3FD2] =	sst s25  }
0xa6: {  	s4 =	sshll.u32 s26, $0x1;
	_ =	strace $0x8000004C;
	[dreg:$0x1] =	wrdreg $0xFFFFFFFF  }
0xa7: {  	s28 =	simm.s32 $_size_execute0_lowered;
	s2 =	sadd.s32 s2, s4;
	[dreg:$0x0] =	wrdreg $0x0  }
0xa8: {  	s4 =	sshll.u32 s28, $0x1;
	[dreg:$0x2] =	wrdreg s2  }
0xa9: {  	[dreg:$0x3] =	wrdreg s4  }
0xaa: {  	[dreg:$0x4] =	wrdreg $0xC0  }
0xab: {  	_ =	task [dreg:s6], $0x5FFFF  }
0xac: {  	[dreg:$0x1] =	wrdreg $0xFFFFFFFF  }
0xad: {  	[dreg:$0x0] =	wrdreg $0x60  }
0xae: {  	[dreg:$0x2] =	wrdreg s24  }
0xaf: {  	[dreg:$0x3] =	wrdreg $0x9  }
0xb0: {  	_ =	task.clear_ibuf [dreg:s6], $0x4FFFF;
	_ =	strace $0x9000004C  }
0xb1: {  	s29 =	simm.s32 $0x9;
	_ =	strace $0x8000004E  }
0xb2: {  	_ =	swait.ge [sflag:s29], $0x1  }
0xb3: {  	[sflag:s29] =	ssyncadd.s32 $0xFFFFFFFF  }
0xb4: {  	_ =	strace $0x9000004E  }
0xb5: {  	_ =	sfence  }
0xb6: {  	s30 =	sld [smem:$0x0];
	_ =	sdelay $0x2  }
0xb7: {  	s31 =	sshll.u32 s1, $0xD;
	s1 =	sshrl.u32 s1, $0x2  }
0xb8: {  	s3 =	sand.u32 $0x4000, s31;
	s1 =	sadd.s32 s1, s30  }
0xb9: {  	s0 =	sor.u32 s3, s0;
	s1 =	sshll.u32 s1, $0x11  }
0xba: {  	s0 =	sor.u32 s1, s0  }
0xbb: {  	s0 =	sadd.s32 $0x8F2B, s0  }
0xbc: {  	[sflag:s0] =	ssyncadd.remote.s32 $0x1  }
0xbd: {  	_ =	sfence.sel $0xFFFF  }
0xbe: {  	[dreg:$0x0] =	wrdreg $0xFFFFFFFF;
	(pc) =	sbr.abs _section_cstart, $3  }
0xbf: {  	[dreg:$0x1] =	wrdreg $0xFFFFFFFF  }
0xc0: {  	_ =	task.clear_ibuf [dreg:s6], $0x2FFFF;
	_ =	strace $0x9FFFFFFF  }
0xc1: {  	(tm) =	ssettm $0x7FFFFFFF  }
tec
execute0_lowered:
.L_overlay_start_1:
0x0: {  	(tag) =	ssettag $0x1  }
0x1: {  	s1 =	srdreg.scid  }
0x2: {  	s0 =	stileid.u32;
	s4 =	rddreg [dreg:$0x0];
	s2 =	simm.s32 $0x0  }
0x3: {  	s9 =	simm.s32 $0x2710;
	s3 =	sand.u32 $0x1, s1;
	s5 =	sshll.u32 s0, $0x1  }
0x4: {  	s10 =	simm.s32 $0x4E20;
	s11 =	simm.s32 $0x7530;
	s5 =	sor.u32 s3, s5  }
0x5: {  	s1 =	rddreg [dreg:$0x1];
	s6 =	ssub.s32 $0x2, s3;
	s5 =	smul.u32 $0x4E2, s5  }
0x6: {  	s12 =	simm.s32 $0x0;
	[smem:$0x7FF] =	sst s2;
	s7 =	sshrl.u32 s6, $0x1  }
0x7: {  	_ =	strace $0x8000004D;
	s7 =	ssub.s32 s6, s7;
	s8 =	sadd.s32 s5, s4  }
0x8: {  	s3 =	sadd.s32 $0x15000, s4;
	s7 =	smax.u32 s7, $0x1;
	s4 =	sadd.s32 $0xB200, s8  }
0x9: {  	v0 =	vimm.f32 $0.0e+00;
	s5 =	sadd.s32 $0x1400, s8;
	s6 =	sadd.s32 $0x15600, s8;
	s8 =	simm.s32 $0x1  }
.LBB2_1:
0xa: {  	[tilespmem:s2], [sflag:$0x1] =	stream.linear.gather [hbm4b:s4+s2], $0x2710, $0x38;
	[tilespmem:$0x9C40] =	vst v63  }
0xb: {  	_ =	swait.ge [sflag:s8], $0x2710  }
0xc: {  	[sflag:s8] =	ssyncset.done $0x0  }
0xd: {  	[sflag:s8] =	ssyncadd.s32 $0xFFFFD8F0  }
0xe: {  	[tilespmem:s9], [sflag:$0x1] =	stream.linear.gather [hbm4b:s5+s2], $0x2710, $0x38;
	[tilespmem:$0x9C40] =	vst v63  }
0xf: {  	_ =	swait.ge [sflag:s8], $0x2710  }
0x10: {  	[sflag:s8] =	ssyncset.done $0x0  }
0x11: {  	[sflag:s8] =	ssyncadd.s32 $0xFFFFD8F0  }
0x12: {  	[tilespmem:s10], [sflag:$0x1] =	stream.linear.gather [hbm4b:s3+s2], $0x2710, $0x38;
	[tilespmem:$0x9C40] =	vst v63  }
0x13: {  	_ =	swait.ge [sflag:s8], $0x2710  }
0x14: {  	[sflag:s8] =	ssyncset.done $0x0  }
0x15: {  	s13 =	simm.s32 $0x0;
	[sflag:s8] =	ssyncadd.s32 $0xFFFFD8F0  }
.LBB2_2:
0x16: {  	p0 =	sne.s32 s13, $0x9C00  }
.Ltmp0:
0x17: {  	_ = 	snop;
	(pc) =	sbr.rel @p0 .LBB2_2-.Ltmp0, $3  }
0x18: {  	_ =	sdelay $0x1  }
0x19: {  	s14 =	sshra.s32 s13, $0x2  }
0x1a: {  	s13 =	sadd.s32 $0x40, s13;
	[tilespmem:s14+$0x7530] =	vst v0  }
0x1b: {  	s13 =	simm.s32 $0xFFFFFFF8;
	s14 =	simm.s32 $0x40;
	s15 =	simm.s32 $0x2750  }
.LBB2_4:
0x1c: {  	v1 =	vld [tilespmem:s14+$0xFFFFFFC0];
	_ =	sdelay $0x4  }
0x1d: {  	v2 =	vld [tilespmem:s15+$0xFFFFFFC0];
	_ =	sdelay $0x2  }
0x1e: {  	v1 =	vld.idx.msk [tilespmem:v1+s10+$0x0], $0xffff;
	_ =	sdelay $0x4  }
0x1f: {  	[tilespmem:v2+s11+$0x0] =	vst.idx.add.f32.msk $0xffff, v1  }
0x20: {  	v1 =	vld [tilespmem:s14+$0xFFFFFFD0];
	_ =	sdelay $0x4  }
0x21: {  	v2 =	vld [tilespmem:s15+$0xFFFFFFD0];
	_ =	sdelay $0x2  }
0x22: {  	v1 =	vld.idx.msk [tilespmem:v1+s10+$0x0], $0xffff;
	_ =	sdelay $0x4  }
0x23: {  	[tilespmem:v2+s11+$0x0] =	vst.idx.add.f32.msk $0xffff, v1  }
0x24: {  	v1 =	vld [tilespmem:s14+$0xFFFFFFE0];
	_ =	sdelay $0x4  }
0x25: {  	v2 =	vld [tilespmem:s15+$0xFFFFFFE0];
	_ =	sdelay $0x2  }
0x26: {  	v1 =	vld.idx.msk [tilespmem:v1+s10+$0x0], $0xffff;
	_ =	sdelay $0x4  }
0x27: {  	[tilespmem:v2+s11+$0x0] =	vst.idx.add.f32.msk $0xffff, v1  }
0x28: {  	v1 =	vld [tilespmem:s14+$0xFFFFFFF0];
	_ =	sdelay $0x4  }
0x29: {  	v2 =	vld [tilespmem:s15+$0xFFFFFFF0];
	_ =	sdelay $0x2  }
0x2a: {  	v1 =	vld.idx.msk [tilespmem:v1+s10+$0x0], $0xffff;
	_ =	sdelay $0x4  }
0x2b: {  	[tilespmem:v2+s11+$0x0] =	vst.idx.add.f32.msk $0xffff, v1  }
0x2c: {  	v1 =	vld [tilespmem:s14+$0x0];
	_ =	sdelay $0x4  }
0x2d: {  	v2 =	vld [tilespmem:s15+$0x0];
	_ =	sdelay $0x2  }
0x2e: {  	v1 =	vld.idx.msk [tilespmem:v1+s10+$0x0], $0xffff;
	_ =	sdelay $0x4  }
0x2f: {  	[tilespmem:v2+s11+$0x0] =	vst.idx.add.f32.msk $0xffff, v1  }
0x30: {  	v1 =	vld [tilespmem:s14+$0x10];
	_ =	sdelay $0x4  }
0x31: {  	v2 =	vld [tilespmem:s15+$0x10];
	_ =	sdelay $0x2  }
0x32: {  	v1 =	vld.idx.msk [tilespmem:v1+s10+$0x0], $0xffff;
	_ =	sdelay $0x4  }
0x33: {  	[tilespmem:v2+s11+$0x0] =	vst.idx.add.f32.msk $0xffff, v1  }
0x34: {  	v1 =	vld [tilespmem:s14+$0x20];
	_ =	sdelay $0x4  }
0x35: {  	v2 =	vld [tilespmem:s15+$0x20];
	_ =	sdelay $0x2  }
0x36: {  	v1 =	vld.idx.msk [tilespmem:v1+s10+$0x0], $0xffff;
	_ =	sdelay $0x4  }
0x37: {  	[tilespmem:v2+s11+$0x0] =	vst.idx.add.f32.msk $0xffff, v1  }
0x38: {  	v1 =	vld [tilespmem:s14+$0x30];
	_ =	sdelay $0x4  }
0x39: {  	v2 =	vld [tilespmem:s15+$0x30];
	_ =	sdelay $0x1  }
0x3a: {  	s13 =	sadd.s32 $0x8, s13  }
0x3b: {  	p0 =	slt.u32 s13, $0x268;
	v1 =	vld.idx.msk [tilespmem:v1+s10+$0x0], $0xffff  }
.Ltmp1:
0x3c: {  	_ = 	snop;
	(pc) =	sbr.rel @p0 .LBB2_4-.Ltmp1, $2  }
0x3d: {  	_ =	sdelay $0x2  }
0x3e: {  	s14 =	sadd.s32 $0x80, s14;
	s15 =	sadd.s32 $0x80, s15;
	[tilespmem:v2+s11+$0x0] =	vst.idx.add.f32.msk $0xffff, v1  }
0x3f: {  	v1 =	vld [tilespmem:$0x2700];
	_ =	sdelay $0x4  }
0x40: {  	v2 =	vld [tilespmem:$0x4E10];
	_ =	sdelay $0x2  }
0x41: {  	v1 =	vld.idx.msk [tilespmem:v1+s10+$0x0], $0xffff;
	_ =	sdelay $0x2  }
0x42: {  	s12 =	sadd.s32 $0x1, s12  }
0x43: {  	p0 =	sne.s32 s12, s7  }
.Ltmp2:
0x44: {  	[tilespmem:v2+s11+$0x0] =	vst.idx.add.f32.msk $0xffff, v1;
	(pc) =	sbr.rel @p0 .LBB2_1-.Ltmp2, $4  }
0x45: {  	[hbm4b:s6+s2] =	stream.linear.scatter [tilespmem:s11], [sflag:$0x1], $0x2710, $0x38;
	[tilespmem:$0x9C40] =	vst v63  }
0x46: {  	_ =	swait.ge [sflag:s8], $0x2710  }
0x47: {  	[sflag:s8] =	ssyncset.done $0x0  }
0x48: {  	[sflag:s8] =	ssyncadd.s32 $0xFFFFD8F0  }
0x49: {  	_ =	sfence.sel $0x180000  }
0x4a: {  	[bflag:$0x0] =	sbarrier.arrive $0xFFFF  }
0x4b: {  	p0 =	sne.s32 s0, $0x0;
	_ =	strace $0x9000004D  }
0x4c: {  	s0 =	sadd.s32 @!p0 $0x100000, s1;
	[bflag:$0x2] =	sbarrier.arrive $0xFFFF  }
0x4d: {  	[sflag:s0] =	ssyncadd.tile.s32 @!p0 $0x1;
	_ =	shalt  }
.Lfunc_end2:
_tile_overlayer_lowered:
.L_overlay_start_2:
0x4e: {  	(tag) =	ssettag $0x2  }
0x4f: {  	s0 =	rddreg [dreg:$0x0];
	s2 =	stileid.u32  }
0x50: {  	s1 =	rddreg [dreg:$0x1];
	p0 =	sne.s32 s2, $0x0  }
0x51: {  	s3 =	rddreg [dreg:$0x2];
	[bflag:$0x3] =	sbarrier.arrive $0xFFFF;
	s2 =	simm.s32 @!p0 $0x1C01  }
0x52: {  	[timem:s3], [sflag:s2] =	dma.local @!p0 [hbm:s0], s1  }
0x53: {  	s0 =	simm.s32 @!p0 $0x1  }
0x54: {  	_ =	swait.ge @!p0 [sflag:s0], s1  }
0x55: {  	s1 =	ssub.s32 @!p0 $0x0, s1;
	[sflag:s0] =	ssyncset.done @!p0 $0x0  }
0x56: {  	[sflag:s0] =	ssyncadd.s32 @!p0 s1  }
0x57: {  	[bflag:$0x3] =	sbarrier.arrive $0xFFFF  }
0x58: {  	_ =	shalt  }

// kernel: kernel.8.cloned.1.call-start
scs
__scs_entry_jumppad:
0x0: {  	(pc) =	sbr.rel $0x88, $3  }
0x1: {  	(tag) =	ssettag $0x0;
	lr =	simm.s32 $0x1  }
0x2: {  	[smem:$0x3F9B] =	sst lr;
	_ =	strace $0xD0000000  }
0x3: {  	_ = 	snop  }
0x4: {  	_ = 	snop  }
0x5: {  	_ = 	snop  }
0x6: {  	_ = 	snop  }
0x7: {  	_ = 	snop  }
__scs_overlays_trampoline_lowered:
0x8: {  	[smem:$0x3FAA] =	sst s0  }
0x9: {  	[smem:$0x3FAB] =	sst s1  }
0xa: {  	[smem:$0x3FAC] =	sst s2  }
0xb: {  	[smem:$0x3FAD] =	sst s3  }
0xc: {  	[smem:$0x3FAE] =	sst s4  }
0xd: {  	[smem:$0x3FAF] =	sst s5  }
0xe: {  	[smem:$0x3FB0] =	sst s6  }
0xf: {  	[smem:$0x3FB1] =	sst s7  }
0x10: {  	[smem:$0x3FB2] =	sst s8  }
0x11: {  	[smem:$0x3FB3] =	sst s9;
	s0 =	simm.s32 @!p0 $0x0  }
0x12: {  	s1 =	sld [smem:$0x3F99];
	s0 =	simm.s32 @p0 $0x1  }
0x13: {  	[smem:$0x3FB4] =	sst s0;
	s0 =	simm.s32 @!p1 $0x0  }
0x14: {  	s2 =	sld [smem:$0x3F98];
	s0 =	simm.s32 @p1 $0x1  }
0x15: {  	[smem:$0x3FB5] =	sst s0;
	s0 =	simm.s32 @!p2 $0x0  }
0x16: {  	s3 =	sld [smem:$0x3FDB];
	s0 =	simm.s32 @p2 $0x1  }
0x17: {  	s4 =	simm.s32 $0x1BF5;
	[smem:$0x3FB7] =	sst s0  }
0x18: {  	s0 =	sld [smem:$0x3F9A];
	_ =	swait.ge [sflag:s4], $0x0  }
0x19: {  	s7 =	sld [smem:$0x3F9B]  }
0x1a: {  	s8 =	sadd.s32 $0xFFFFE003, lr  }
0x1b: {  	s9 =	sadd.s32 $0xFFFFFEF7, lr;
	s5 =	simm.s32 $0xFFFFFFFF;
	p2 =	slt.u32 s8, $0xFFFFF086  }
0x1c: {  	p1 =	slt.u32 s9, $0xF7A;
	s5 =	simm.s32 @!p2 $0x0  }
0x1d: {  	s5 =	simm.s32 @p1 $0x1;
	p0 =	seq.s32 s7, s2  }
0x1e: {  	s7 =	smul.u32 @!p0 $0xF7A, s2;
	p2 =	seq.s32 @!p0 s5, $0x0  }
0x1f: {  	s9 =	smul.u32 $0xF7A, s1;
	s8 =	simm.s32 @!p0 $0x1BF5;
	p2 =	por !p2, p0  }
0x20: {  	[sflag:s8] =	ssyncset.s32 @!p0 $0xFFFFF086;
	s6 =	sadd.s32 @!p0 s3, s7;
	s7 =	simm.s32 @!p0 $0x108  }
0x21: {  	s3 =	sadd.s32 s3, s9;
	s6 =	sadd.s32 @!p0 $0x88, s6;
	s7 =	simm.s32 @p2 $0x1082  }
0x22: {  	[simem:s7], [sflag:s8] =	dma.local @!p0 [hbm:s6], $0xF7A  }
0x23: {  	s9 =	sor.u32 $0xD0000000, s2;
	s6 =	simm.s32 $0x108;
	_ =	swait.ge @!p0 [sflag:s8], $0x0  }
0x24: {  	s3 =	sadd.s32 $0x88, s3;
	s6 =	simm.s32 @!p1 $0x1082;
	[sflag:s4] =	ssyncset.s32 $0xFFFFF086  }
0x25: {  	[simem:s6], [sflag:s4] =	dma.local [hbm:s3], $0xF7A  }
0x26: {  	[smem:$0x3F9B] =	sst s1;
	(tag) =	ssettag s2;
	_ =	strace s9  }
0x27: {  	s1 =	sld [smem:$0x3FAB]  }
0x28: {  	s2 =	sld [smem:$0x3FAC]  }
0x29: {  	s4 =	sld [smem:$0x3FAE]  }
0x2a: {  	p0 =	seq.s32 s5, $0x0;
	s5 =	sld [smem:$0x3FAF]  }
0x2b: {  	s6 =	sld [smem:$0x3FB0]  }
0x2c: {  	s7 =	sld [smem:$0x3FB1]  }
0x2d: {  	s3 =	simm.s32 $0x108;
	s8 =	sld [smem:$0x3FB2]  }
0x2e: {  	s3 =	simm.s32 @!p0 $0x1082;
	s9 =	sld [smem:$0x3FB3]  }
0x2f: {  	lr =	sadd.s32 s0, s3;
	s0 =	sld [smem:$0x3FAA]  }
0x30: {  	s3 =	sld [smem:$0x3FAD]  }
0x31: {  	[smem:$0x3FB6] =	sst s10  }
0x32: {  	s10 =	sld [smem:$0x3FB4];
	_ =	sdelay $0x3  }
0x33: {  	p0 =	seq.s32 s10, $0x1;
	s10 =	sld [smem:$0x3FB6];
	_ =	sdelay $0x3  }
0x34: {  	[smem:$0x3FB6] =	sst s10  }
0x35: {  	s10 =	sld [smem:$0x3FB5];
	_ =	sdelay $0x3  }
0x36: {  	p1 =	seq.s32 s10, $0x1;
	s10 =	sld [smem:$0x3FB6];
	_ =	sdelay $0x3  }
0x37: {  	[smem:$0x3FB6] =	sst s10  }
0x38: {  	s10 =	sld [smem:$0x3FB7]  }
0x39: {  	_ = 	snop;
	(pc) =	sbr.ind lr, $3  }
0x3a: {  	_ = 	snop  }
0x3b: {  	_ = 	snop  }
0x3c: {  	p2 =	seq.s32 s10, $0x1;
	s10 =	sld [smem:$0x3FB6]  }
0x3d: {  	_ =	shalt  }
0x3e: {  	_ =	shalt  }
0x3f: {  	_ =	shalt  }
0x40: {  	_ =	shalt  }
0x41: {  	_ =	shalt  }
0x42: {  	_ =	shalt  }
0x43: {  	_ =	shalt  }
0x44: {  	_ =	shalt  }
0x45: {  	_ =	shalt  }
0x46: {  	_ =	shalt  }
0x47: {  	_ =	shalt  }
0x48: {  	_ =	shalt  }
0x49: {  	_ =	shalt  }
0x4a: {  	_ =	shalt  }
0x4b: {  	_ =	shalt  }
0x4c: {  	_ =	shalt  }
0x4d: {  	_ =	shalt  }
0x4e: {  	_ =	shalt  }
0x4f: {  	_ =	shalt  }
0x50: {  	_ =	shalt  }
0x51: {  	_ =	shalt  }
0x52: {  	_ =	shalt  }
0x53: {  	_ =	shalt  }
0x54: {  	_ =	shalt  }
0x55: {  	_ =	shalt  }
0x56: {  	_ =	shalt  }
0x57: {  	_ =	shalt  }
0x58: {  	_ =	shalt  }
0x59: {  	_ =	shalt  }
0x5a: {  	_ =	shalt  }
0x5b: {  	_ =	shalt  }
0x5c: {  	_ =	shalt  }
0x5d: {  	_ =	shalt  }
0x5e: {  	_ =	shalt  }
0x5f: {  	_ =	shalt  }
0x60: {  	_ =	shalt  }
0x61: {  	_ =	shalt  }
0x62: {  	_ =	shalt  }
0x63: {  	_ =	shalt  }
0x64: {  	_ =	shalt  }
0x65: {  	_ =	shalt  }
0x66: {  	_ =	shalt  }
0x67: {  	_ =	shalt  }
0x68: {  	_ =	shalt  }
0x69: {  	_ =	shalt  }
0x6a: {  	_ =	shalt  }
0x6b: {  	_ =	shalt  }
0x6c: {  	_ =	shalt  }
0x6d: {  	_ =	shalt  }
0x6e: {  	_ =	shalt  }
0x6f: {  	_ =	shalt  }
0x70: {  	_ =	shalt  }
0x71: {  	_ =	shalt  }
0x72: {  	_ =	shalt  }
0x73: {  	_ =	shalt  }
0x74: {  	_ =	shalt  }
0x75: {  	_ =	shalt  }
0x76: {  	_ =	shalt  }
0x77: {  	_ =	shalt  }
0x78: {  	_ =	shalt  }
0x79: {  	_ =	shalt  }
0x7a: {  	_ =	shalt  }
0x7b: {  	_ =	shalt  }
0x7c: {  	_ =	shalt  }
0x7d: {  	_ =	shalt  }
0x7e: {  	_ =	shalt  }
0x7f: {  	_ =	shalt  }
0x80: {  	_ =	shalt  }
0x81: {  	_ =	shalt  }
0x82: {  	_ =	shalt  }
0x83: {  	_ =	shalt  }
0x84: {  	_ =	shalt  }
0x85: {  	_ =	shalt  }
0x86: {  	_ =	shalt  }
0x87: {  	_ =	shalt  }
.Lfunc_end0:
.L_simem_size_0:
called_computation_lowered:
.L_overlay_start_0:
0x88: {  	s2 =	sld [smem:$0x3FD9]  }
0x89: {  	s3 =	sld [smem:$0x3FFE];
	_ =	sdelay $0x1  }
0x8a: {  	s1 =	srdreg.scid  }
0x8b: {  	s0 =	sand.u32 $0x1, s1  }
0x8c: {  	s16 =	sshll.u32 s0, $0xA;
	s2 =	sadd.s32 s3, s2  }
0x8d: {  	s2 =	sadd.s32 s2, s16  }
0x8e: {  	[smem:$0x3FC2] =	sst s2  }
0x8f: {  	_ = 	snop  }
0x90: {  	(tm) =	ssettm $0x1  }
0x91: {  	s17 =	sld [smem:$0x3FFB];
	_ =	sdelay $0x3  }
0x92: {  	_ =	strace s17  }
0x93: {  	s2 =	sld [smem:$0x3FFC];
	_ =	sdelay $0x3  }
0x94: {  	_ =	strace s2  }
0x95: {  	s2 =	sld [smem:$0x3FFD];
	_ =	sdelay $0x3  }
0x96: {  	_ =	strace s2  }
0x97: {  	_ =	strace $0x8FFFFFFF  }
0x98: {  	s18 =	sld [smem:$0x3FDB];
	_ =	sdelay $0x1  }
0x99: {  	s19 =	simm.s32 $_scs_section_size  }
0x9a: {  	s4 =	simm.s32 $_size__tile_overlayer_lowered;
	s5 =	simm.s32 $_tile_overlayer_lowered  }
0x9b: {  	s22 =	simm.s32 $0x1BFF;
	s21 =	sshll.u32 s5, $0x1;
	s2 =	sadd.s32 s19, s18  }
0x9c: {  	s6 =	simm.s32 $0x0;
	s20 =	sshll.u32 s4, $0x1;
	s4 =	sadd.s32 s21, s2  }
0x9d: {  	[timem:s6], [sflag:s22] =	dma.local [hbm:s4], s20  }
0x9e: {  	_ =	swait.ge [sflag:s22], s20  }
0x9f: {  	s3 =	ssub.s32 $0x0, s20;
	[sflag:s22] =	ssyncset.done $0x0  }
0xa0: {  	[sflag:s22] =	ssyncadd.s32 s3;
	_ =	sdelay $0x1  }
0xa1: {  	s23 =	simm.s32 $0x1B8B  }
0xa2: {  	_ =	swait.ge [sflag:s23], $0x1  }
0xa3: {  	[sflag:s23] =	ssyncset.done $0x0  }
0xa4: {  	s25 =	simm.s32 $0x1B8E;
	s24 =	sld [smem:$0x3FFE];
	[sflag:s23] =	ssyncadd.s32 $0xFFFFFFFF  }
0xa5: {  	s26 =	simm.s32 $execute0_lowered;
	[smem:$0x3FD2] =	sst s25  }
0xa6: {  	s4 =	sshll.u32 s26, $0x1;
	_ =	strace $0x80000046;
	[dreg:$0x1] =	wrdreg $0xFFFFFFFF  }
0xa7: {  	s28 =	simm.s32 $_size_execute0_lowered;
	s2 =	sadd.s32 s2, s4;
	[dreg:$0x0] =	wrdreg $0x0  }
0xa8: {  	s4 =	sshll.u32 s28, $0x1;
	[dreg:$0x2] =	wrdreg s2  }
0xa9: {  	[dreg:$0x3] =	wrdreg s4  }
0xaa: {  	[dreg:$0x4] =	wrdreg $0xC0  }
0xab: {  	_ =	task [dreg:s6], $0x5FFFF  }
0xac: {  	[dreg:$0x1] =	wrdreg $0xFFFFFFFF  }
0xad: {  	[dreg:$0x0] =	wrdreg $0x60  }
0xae: {  	[dreg:$0x2] =	wrdreg s24  }
0xaf: {  	[dreg:$0x3] =	wrdreg $0x9  }
0xb0: {  	_ =	task.clear_ibuf [dreg:s6], $0x4FFFF;
	_ =	strace $0x90000046  }
0xb1: {  	s29 =	simm.s32 $0x9;
	_ =	strace $0x80000048  }
0xb2: {  	_ =	swait.ge [sflag:s29], $0x1  }
0xb3: {  	[sflag:s29] =	ssyncadd.s32 $0xFFFFFFFF  }
0xb4: {  	_ =	strace $0x90000048  }
0xb5: {  	_ =	sfence  }
0xb6: {  	s30 =	sld [smem:$0x0];
	_ =	sdelay $0x2  }
0xb7: {  	s31 =	sshll.u32 s1, $0xD;
	s1 =	sshrl.u32 s1, $0x2  }
0xb8: {  	s3 =	sand.u32 $0x4000, s31;
	s1 =	sadd.s32 s1, s30  }
0xb9: {  	s0 =	sor.u32 s3, s0;
	s1 =	sshll.u32 s1, $0x11  }
0xba: {  	s0 =	sor.u32 s1, s0  }
0xbb: {  	s0 =	sadd.s32 $0x8F2B, s0  }
0xbc: {  	[sflag:s0] =	ssyncadd.remote.s32 $0x1  }
0xbd: {  	_ =	sfence.sel $0xFFFF  }
0xbe: {  	[dreg:$0x0] =	wrdreg $0xFFFFFFFF;
	(pc) =	sbr.abs _section_cstart, $3  }
0xbf: {  	[dreg:$0x1] =	wrdreg $0xFFFFFFFF  }
0xc0: {  	_ =	task.clear_ibuf [dreg:s6], $0x2FFFF;
	_ =	strace $0x9FFFFFFF  }
0xc1: {  	(tm) =	ssettm $0x7FFFFFFF  }
tec
execute0_lowered:
.L_overlay_start_1:
0x0: {  	(tag) =	ssettag $0x1  }
0x1: {  	s1 =	srdreg.scid;
	s0 =	stileid.u32  }
0x2: {  	s4 =	sand.u32 $0x1, s1;
	s2 =	sshll.u32 s0, $0x1  }
0x3: {  	s3 =	rddreg [dreg:$0x0];
	s5 =	sor.u32 s4, s2  }
0x4: {  	s7 =	simm.s32 $0x2710;
	s8 =	simm.s32 $0x0;
	s5 =	smul.u32 $0x4E2, s5  }
0x5: {  	s1 =	rddreg [dreg:$0x1];
	s2 =	simm.s32 $0x0;
	s4 =	ssub.s32 $0x2, s4  }
0x6: {  	[smem:$0x7FF] =	sst s2;
	s6 =	sshrl.u32 s4, $0x1;
	s5 =	sadd.s32 s5, s3  }
0x7: {  	_ =	strace $0x80000047;
	s6 =	ssub.s32 s4, s6;
	s3 =	sadd.s32 $0x1400, s5  }
0x8: {  	v0 =	vimm.f32 $0.0e+00;
	v1 =	vimm.f32 $1.000000000e+00;
	s4 =	sadd.s32 $0x15000, s5;
	s5 =	smax.u32 s6, $0x1;
	s6 =	simm.s32 $0x1  }
.LBB2_1:
0x9: {  	[tilespmem:s2], [sflag:$0x1] =	stream.linear.gather [hbm4b:s3+s2], $0x2710, $0x38;
	[tilespmem:$0x4E20] =	vst v63  }
0xa: {  	_ =	swait.ge [sflag:s6], $0x2710  }
0xb: {  	[sflag:s6] =	ssyncset.done $0x0  }
0xc: {  	s9 =	simm.s32 $0x0;
	[sflag:s6] =	ssyncadd.s32 $0xFFFFD8F0  }
.LBB2_2:
0xd: {  	p0 =	sne.s32 s9, $0x9C00  }
.Ltmp0:
0xe: {  	_ = 	snop;
	(pc) =	sbr.rel @p0 .LBB2_2-.Ltmp0, $3  }
0xf: {  	_ =	sdelay $0x1  }
0x10: {  	s10 =	sshra.s32 s9, $0x2  }
0x11: {  	s9 =	sadd.s32 $0x40, s9;
	[tilespmem:s10+$0x2710] =	vst v0  }
0x12: {  	s9 =	simm.s32 $0xFFFFFFF8;
	s10 =	simm.s32 $0x40  }
.LBB2_4:
0x13: {  	v2 =	vld [tilespmem:s10+$0xFFFFFFC0];
	_ =	sdelay $0x7  }
0x14: {  	[tilespmem:v2+s7+$0x0] =	vst.idx.add.f32.msk $0xffff, v1  }
0x15: {  	v2 =	vld [tilespmem:s10+$0xFFFFFFD0];
	_ =	sdelay $0x7  }
0x16: {  	[tilespmem:v2+s7+$0x0] =	vst.idx.add.f32.msk $0xffff, v1  }
0x17: {  	v2 =	vld [tilespmem:s10+$0xFFFFFFE0];
	_ =	sdelay $0x7  }
0x18: {  	[tilespmem:v2+s7+$0x0] =	vst.idx.add.f32.msk $0xffff, v1  }
0x19: {  	v2 =	vld [tilespmem:s10+$0xFFFFFFF0];
	_ =	sdelay $0x7  }
0x1a: {  	[tilespmem:v2+s7+$0x0] =	vst.idx.add.f32.msk $0xffff, v1  }
0x1b: {  	v2 =	vld [tilespmem:s10+$0x0];
	_ =	sdelay $0x7  }
0x1c: {  	[tilespmem:v2+s7+$0x0] =	vst.idx.add.f32.msk $0xffff, v1  }
0x1d: {  	v2 =	vld [tilespmem:s10+$0x10];
	_ =	sdelay $0x7  }
0x1e: {  	[tilespmem:v2+s7+$0x0] =	vst.idx.add.f32.msk $0xffff, v1  }
0x1f: {  	v2 =	vld [tilespmem:s10+$0x20];
	_ =	sdelay $0x7  }
0x20: {  	[tilespmem:v2+s7+$0x0] =	vst.idx.add.f32.msk $0xffff, v1  }
0x21: {  	v2 =	vld [tilespmem:s10+$0x30];
	_ =	sdelay $0x1  }
0x22: {  	s9 =	sadd.s32 $0x8, s9  }
0x23: {  	p0 =	slt.u32 s9, $0x268  }
.Ltmp1:
0x24: {  	_ = 	snop;
	(pc) =	sbr.rel @p0 .LBB2_4-.Ltmp1, $2  }
0x25: {  	_ =	sdelay $0x2  }
0x26: {  	s10 =	sadd.s32 $0x80, s10;
	[tilespmem:v2+s7+$0x0] =	vst.idx.add.f32.msk $0xffff, v1  }
0x27: {  	v2 =	vld [tilespmem:$0x2700];
	_ =	sdelay $0x5  }
0x28: {  	s8 =	sadd.s32 $0x1, s8  }
0x29: {  	p0 =	sne.s32 s8, s5  }
.Ltmp2:
0x2a: {  	[tilespmem:v2+s7+$0x0] =	vst.idx.add.f32.msk $0xffff, v1;
	(pc) =	sbr.rel @p0 .LBB2_1-.Ltmp2, $4  }
0x2b: {  	[hbm4b:s4+s2] =	stream.linear.scatter [tilespmem:s7], [sflag:$0x1], $0x2710, $0x38;
	[tilespmem:$0x4E20] =	vst v63  }
0x2c: {  	_ =	swait.ge [sflag:s6], $0x2710  }
0x2d: {  	[sflag:s6] =	ssyncset.done $0x0  }
0x2e: {  	[sflag:s6] =	ssyncadd.s32 $0xFFFFD8F0  }
0x2f: {  	_ =	sfence.sel $0x180000  }
0x30: {  	[bflag:$0x0] =	sbarrier.arrive $0xFFFF  }
0x31: {  	p0 =	sne.s32 s0, $0x0;
	_ =	strace $0x90000047  }
0x32: {  	s0 =	sadd.s32 @!p0 $0x100000, s1;
	[bflag:$0x2] =	sbarrier.arrive $0xFFFF  }
0x33: {  	[sflag:s0] =	ssyncadd.tile.s32 @!p0 $0x1;
	_ =	shalt  }
.Lfunc_end2:
_tile_overlayer_lowered:
.L_overlay_start_2:
0x34: {  	(tag) =	ssettag $0x2  }
0x35: {  	s0 =	rddreg [dreg:$0x0];
	s2 =	stileid.u32  }
0x36: {  	s1 =	rddreg [dreg:$0x1];
	p0 =	sne.s32 s2, $0x0  }
0x37: {  	s3 =	rddreg [dreg:$0x2];
	[bflag:$0x3] =	sbarrier.arrive $0xFFFF;
	s2 =	simm.s32 @!p0 $0x1C01  }
0x38: {  	[timem:s3], [sflag:s2] =	dma.local @!p0 [hbm:s0], s1  }
0x39: {  	s0 =	simm.s32 @!p0 $0x1  }
0x3a: {  	_ =	swait.ge @!p0 [sflag:s0], s1  }
0x3b: {  	s1 =	ssub.s32 @!p0 $0x0, s1;
	[sflag:s0] =	ssyncset.done @!p0 $0x0  }
0x3c: {  	[sflag:s0] =	ssyncadd.s32 @!p0 s1  }
0x3d: {  	[bflag:$0x3] =	sbarrier.arrive $0xFFFF  }
0x3e: {  	_ =	shalt  }

</sc_bundles>
